<compile_context>
chip_gen: v7x
topology: tpu7x:2x2x1
jax: 0.10.2.dev20260603
libtpu: 0.0.44.dev20260713+nightly
codegen_flags: <defaults>
</compile_context>

<pallas_src>
import functools

import jax
import jax.numpy as jnp
import numpy as np
from jax import lax
from jax.experimental import pallas as pl
from jax.experimental.pallas import tpu as pltpu
from jax.experimental.pallas import tpu_sc as plsc

N_EMBD = 128
HALF = N_EMBD // 2
L = 16
NC = 2
NS = 16
NW = NC * NS


def _make_sc_kernel(batch, seq_len):
    p_per_w = seq_len // NW
    nh = HALF // L

    n_doubles = int(np.log2(p_per_w))
    assert (1 << n_doubles) == p_per_w

    mesh = plsc.VectorSubcoreMesh(
        core_axis_name="c", subcore_axis_name="s", num_cores=NC, num_subcores=NS
    )

    @functools.partial(
        pl.kernel,
        out_type=jax.ShapeDtypeStruct((batch, seq_len, N_EMBD), jnp.float32),
        mesh=mesh,
        scratch_types=[
            pltpu.VMEM((batch * p_per_w,), jnp.int32),
            pltpu.VMEM((batch, p_per_w, N_EMBD), jnp.float32),
            pltpu.VMEM((p_per_w, N_EMBD), jnp.float32),
            pltpu.SemaphoreType.DMA,
            pltpu.SemaphoreType.DMA,
            pltpu.SemaphoreType.DMA,
        ],
    )
    def sc_kernel(tok_hbm, w_hbm, out_hbm,
                  idx_v, rows_v, cs_v, sem_i, sem_g, sem_w):
        wid = lax.axis_index("s") * NC + lax.axis_index("c")
        pbase = wid * p_per_w

        idx_copies = [
            pltpu.async_copy(
                tok_hbm.at[b, pl.ds(pbase, p_per_w)],
                idx_v.at[pl.ds(b * p_per_w, p_per_w)],
                sem_i,
            )
            for b in range(batch)
        ]
        for c in idx_copies:
            c.wait()

        gathers = [
            pltpu.async_copy(
                w_hbm.at[idx_v.at[pl.ds(b * p_per_w, p_per_w)]],
                rows_v.at[b],
                sem_g,
            )
            for b in range(batch)
        ]

        lanes = lax.iota(jnp.int32, L).astype(jnp.float32)
        neg_scale = -float(np.log(10000.0)) / HALF
        cf, sf = [], []
        for j in range(nh):
            f = jnp.exp((lanes + float(j * L)) * neg_scale)
            x2 = f * f
            cf.append(
                1.0 + x2 * (-1.0 / 2 + x2 * (1.0 / 24 + x2 * (-1.0 / 720 + x2 * (1.0 / 40320))))
            )
            sf.append(
                f * (1.0 + x2 * (-1.0 / 6 + x2 * (1.0 / 120 + x2 * (-1.0 / 5040 + x2 * (1.0 / 362880)))))
            )
        cc, sc_ = list(cf), list(sf)
        for _ in range(n_doubles):
            cc, sc_ = (
                [cc[j] * cc[j] - sc_[j] * sc_[j] for j in range(nh)],
                [2.0 * cc[j] * sc_[j] for j in range(nh)],
            )

        def rot_step(carry, cd, sd):
            c, s = carry[:nh], carry[nh:]
            nc = [c[j] * cd[j] - s[j] * sd[j] for j in range(nh)]
            ns = [s[j] * cd[j] + c[j] * sd[j] for j in range(nh)]
            return tuple(nc) + tuple(ns)

        ones = lanes * 0.0 + 1.0
        zeros = lanes * 0.0
        seed = lax.fori_loop(
            0, wid, lambda i, cr: rot_step(cr, cc, sc_),
            (ones,) * nh + (zeros,) * nh,
        )
        for j in range(nh):
            cs_v[0, pl.ds(j * L, L)] = seed[j]
            cs_v[0, pl.ds(HALF + j * L, L)] = seed[nh + j]

        def build(p, carry):
            nxt = rot_step(carry, cf, sf)
            for j in range(nh):
                cs_v[p, pl.ds(j * L, L)] = nxt[j]
                cs_v[p, pl.ds(HALF + j * L, L)] = nxt[nh + j]
            return nxt

        lax.fori_loop(1, p_per_w, build, seed)

        writes = []
        for b in range(batch):
            gathers[b].wait()

            def rotate(p, carry, b=b):
                ts = [rows_v[b, p, pl.ds(j * L, L)] for j in range(N_EMBD // L)]
                cs = [cs_v[p, pl.ds(j * L, L)] for j in range(N_EMBD // L)]
                for j in range(nh):
                    rows_v[b, p, pl.ds(j * L, L)] = (
                        ts[j] * cs[j] - ts[j + nh] * cs[j + nh]
                    )
                    rows_v[b, p, pl.ds((j + nh) * L, L)] = (
                        ts[j + nh] * cs[j] + ts[j] * cs[j + nh]
                    )
                return carry

            lax.fori_loop(0, p_per_w, rotate, 0)
            writes.append(
                pltpu.async_copy(
                    rows_v.at[b], out_hbm.at[b, pl.ds(pbase, p_per_w)], sem_w
                )
            )
        for w in writes:
            w.wait()

    return sc_kernel


def kernel(token, W):
    batch, seq_len = token.shape
    sc = _make_sc_kernel(batch, seq_len)
    return sc(token, W)

# --- scband reference (transcript-rebuilt; emitter-appended) ---
"""Pipeline reference for scband-token-embedding-37306085933183 (READ-ONLY COPY).

The authoritative reference and input builder live on the scoring server;
editing this copy changes nothing except your own understanding.
"""

import jax, jax.numpy as jnp
import numpy as np

N_EMBD = 128
BLOCK_SIZE = 2048
VOCAB_SIZE = 1000000
BATCH = 4
SEQ_LEN = 2048


def get_rotary_emb(dim, max_seq_len):
    inv_freq = 1.0 / (10000.0 ** (jnp.arange(0, dim, 2, dtype=jnp.float32) / dim))
    seq = jnp.arange(max_seq_len, dtype=jnp.float32)
    freqs = seq[:, None] * inv_freq[None, :]
    return jnp.concatenate((freqs, freqs), axis=-1)


def rotate_half(x):
    x = x.reshape(x.shape[:-1] + (2, x.shape[-1] // 2))
    x1 = x[..., 0, :]
    x2 = x[..., 1, :]
    return jnp.concatenate((-x2, x1), axis=-1)


def apply_rotary_pos_emb(pos, t):
    return t * jnp.cos(pos) + rotate_half(t) * jnp.sin(pos)


def setup_inputs(seed: int = 0):
    key = jax.random.key(seed)
    k1, k2 = jax.random.split(key)
    token = jax.random.randint(k1, (BATCH, SEQ_LEN), 0, VOCAB_SIZE, dtype=jnp.int32)
    W = jax.random.normal(k2, (VOCAB_SIZE, N_EMBD), dtype=jnp.float32)
    return {"token": token, "W": W}


def reference(token, W):
    tok_emb = jnp.take(W, token, axis=0)
    pos_emb = get_rotary_emb(N_EMBD, BLOCK_SIZE)
    pos = pos_emb[: token.shape[1]]
    return apply_rotary_pos_emb(pos, tok_emb)

if __name__ == "__main__":
    import jax
    _d = setup_inputs()
    print(jax.jit(kernel)(*tuple(_d.values())))

</pallas_src>

<mosaic_0001>
#map = affine_map<(d0, d1) -> (0, 0)>
#map1 = affine_map<(d0, d1) -> (0, 0, 0)>
module attributes {stable_mosaic.version = 14 : i64} {
  func.func @sc_kernel(%arg0: i32, %arg1: i32, %arg2: memref<4x2048xi32, #tpu.memory_space<hbm>>, %arg3: memref<1000000x128xf32, #tpu.memory_space<hbm>>, %arg4: memref<4x2048x128xf32, #tpu.memory_space<hbm>>, %arg5: memref<256xi32, #tpu.memory_space<vmem>>, %arg6: memref<4x64x128xf32, #tpu.memory_space<vmem>>, %arg7: memref<64x128xf32, #tpu.memory_space<vmem>>, %arg8: memref<!tpu.dma_semaphore, #tpu.memory_space<semaphore_mem>>, %arg9: memref<!tpu.dma_semaphore, #tpu.memory_space<semaphore_mem>>, %arg10: memref<!tpu.dma_semaphore, #tpu.memory_space<semaphore_mem>>) attributes {dimension_semantics = [#tpu.dimension_semantics<core_parallel>, #tpu.dimension_semantics<subcore_parallel>], iteration_bounds = array<i64: 2, 16>, scalar_prefetch = 0 : i64, scratch_operands = 6 : i64, tpu.core_type = #tpu.core_type<sc_vector_subcore>, window_params = [{transform_indices = #map}, {transform_indices = #map}, {transform_indices = #map1}]} {
    %mul3A = arith.constant 2 : i32
    %mul3A_0 = arith.muli %arg1, %mul3A : i32
    %add3A = arith.addi %mul3A_0, %arg0 : i32
    %mul3A_1 = arith.constant 64 : i32
    %mul3A_2 = arith.muli %add3A, %mul3A_1 : i32
    %dma_start3A = arith.constant 0 : i32
    %dma_start3A_3 = arith.constant 0 : i32
    %dma_start3A_4 = tpu.memref_slice %arg5[%dma_start3A_3] : memref<256xi32, #tpu.memory_space<vmem>> -> memref<64xi32, #tpu.memory_space<vmem>>
    %dma_start3A_5 = tpu.memref_slice %arg2[%dma_start3A, %mul3A_2] : memref<4x2048xi32, #tpu.memory_space<hbm>> -> memref<1x64xi32, #tpu.memory_space<hbm>>
    %dma_start3A_6 = tpu.memref_squeeze %dma_start3A_5 : memref<1x64xi32, #tpu.memory_space<hbm>> -> memref<64xi32, #tpu.memory_space<hbm>>
    %dma_start3A_7 = arith.constant 0 : i32
    %dma_start3A_8 = tpu.memref_slice %arg5[%dma_start3A_7] : memref<256xi32, #tpu.memory_space<vmem>> -> memref<64xi32, #tpu.memory_space<vmem>>
    %dma_start3A_9 = tpu.memref_slice %arg2[%dma_start3A, %mul3A_2] : memref<4x2048xi32, #tpu.memory_space<hbm>> -> memref<1x64xi32, #tpu.memory_space<hbm>>
    %dma_start3A_10 = tpu.memref_squeeze %dma_start3A_9 : memref<1x64xi32, #tpu.memory_space<hbm>> -> memref<64xi32, #tpu.memory_space<hbm>>
    tpu.enqueue_dma source(%dma_start3A_10 : memref<64xi32, #tpu.memory_space<hbm>>) target(%dma_start3A_8 : memref<64xi32, #tpu.memory_space<vmem>>) target_semaphore(%arg8 : memref<!tpu.dma_semaphore, #tpu.memory_space<semaphore_mem>>)
    %dma_start3A_11 = arith.constant 1 : i32
    %dma_start3A_12 = arith.constant 64 : i32
    %dma_start3A_13 = tpu.memref_slice %arg5[%dma_start3A_12] : memref<256xi32, #tpu.memory_space<vmem>> -> memref<64xi32, #tpu.memory_space<vmem>>
    %dma_start3A_14 = tpu.memref_slice %arg2[%dma_start3A_11, %mul3A_2] : memref<4x2048xi32, #tpu.memory_space<hbm>> -> memref<1x64xi32, #tpu.memory_space<hbm>>
    %dma_start3A_15 = tpu.memref_squeeze %dma_start3A_14 : memref<1x64xi32, #tpu.memory_space<hbm>> -> memref<64xi32, #tpu.memory_space<hbm>>
    %dma_start3A_16 = arith.constant 64 : i32
    %dma_start3A_17 = tpu.memref_slice %arg5[%dma_start3A_16] : memref<256xi32, #tpu.memory_space<vmem>> -> memref<64xi32, #tpu.memory_space<vmem>>
    %dma_start3A_18 = tpu.memref_slice %arg2[%dma_start3A_11, %mul3A_2] : memref<4x2048xi32, #tpu.memory_space<hbm>> -> memref<1x64xi32, #tpu.memory_space<hbm>>
    %dma_start3A_19 = tpu.memref_squeeze %dma_start3A_18 : memref<1x64xi32, #tpu.memory_space<hbm>> -> memref<64xi32, #tpu.memory_space<hbm>>
    tpu.enqueue_dma source(%dma_start3A_19 : memref<64xi32, #tpu.memory_space<hbm>>) target(%dma_start3A_17 : memref<64xi32, #tpu.memory_space<vmem>>) target_semaphore(%arg8 : memref<!tpu.dma_semaphore, #tpu.memory_space<semaphore_mem>>)
    %dma_start3A_20 = arith.constant 2 : i32
    %dma_start3A_21 = arith.constant 128 : i32
    %dma_start3A_22 = tpu.memref_slice %arg5[%dma_start3A_21] : memref<256xi32, #tpu.memory_space<vmem>> -> memref<64xi32, #tpu.memory_space<vmem>>
    %dma_start3A_23 = tpu.memref_slice %arg2[%dma_start3A_20, %mul3A_2] : memref<4x2048xi32, #tpu.memory_space<hbm>> -> memref<1x64xi32, #tpu.memory_space<hbm>>
    %dma_start3A_24 = tpu.memref_squeeze %dma_start3A_23 : memref<1x64xi32, #tpu.memory_space<hbm>> -> memref<64xi32, #tpu.memory_space<hbm>>
    %dma_start3A_25 = arith.constant 128 : i32
    %dma_start3A_26 = tpu.memref_slice %arg5[%dma_start3A_25] : memref<256xi32, #tpu.memory_space<vmem>> -> memref<64xi32, #tpu.memory_space<vmem>>
    %dma_start3A_27 = tpu.memref_slice %arg2[%dma_start3A_20, %mul3A_2] : memref<4x2048xi32, #tpu.memory_space<hbm>> -> memref<1x64xi32, #tpu.memory_space<hbm>>
    %dma_start3A_28 = tpu.memref_squeeze %dma_start3A_27 : memref<1x64xi32, #tpu.memory_space<hbm>> -> memref<64xi32, #tpu.memory_space<hbm>>
    tpu.enqueue_dma source(%dma_start3A_28 : memref<64xi32, #tpu.memory_space<hbm>>) target(%dma_start3A_26 : memref<64xi32, #tpu.memory_space<vmem>>) target_semaphore(%arg8 : memref<!tpu.dma_semaphore, #tpu.memory_space<semaphore_mem>>)
    %dma_start3A_29 = arith.constant 3 : i32
    %dma_start3A_30 = arith.constant 192 : i32
    %dma_start3A_31 = tpu.memref_slice %arg5[%dma_start3A_30] : memref<256xi32, #tpu.memory_space<vmem>> -> memref<64xi32, #tpu.memory_space<vmem>>
    %dma_start3A_32 = tpu.memref_slice %arg2[%dma_start3A_29, %mul3A_2] : memref<4x2048xi32, #tpu.memory_space<hbm>> -> memref<1x64xi32, #tpu.memory_space<hbm>>
    %dma_start3A_33 = tpu.memref_squeeze %dma_start3A_32 : memref<1x64xi32, #tpu.memory_space<hbm>> -> memref<64xi32, #tpu.memory_space<hbm>>
    %dma_start3A_34 = arith.constant 192 : i32
    %dma_start3A_35 = tpu.memref_slice %arg5[%dma_start3A_34] : memref<256xi32, #tpu.memory_space<vmem>> -> memref<64xi32, #tpu.memory_space<vmem>>
    %dma_start3A_36 = tpu.memref_slice %arg2[%dma_start3A_29, %mul3A_2] : memref<4x2048xi32, #tpu.memory_space<hbm>> -> memref<1x64xi32, #tpu.memory_space<hbm>>
    %dma_start3A_37 = tpu.memref_squeeze %dma_start3A_36 : memref<1x64xi32, #tpu.memory_space<hbm>> -> memref<64xi32, #tpu.memory_space<hbm>>
    tpu.enqueue_dma source(%dma_start3A_37 : memref<64xi32, #tpu.memory_space<hbm>>) target(%dma_start3A_35 : memref<64xi32, #tpu.memory_space<vmem>>) target_semaphore(%arg8 : memref<!tpu.dma_semaphore, #tpu.memory_space<semaphore_mem>>)
    %dma_wait3A = arith.constant 0 : i32
    %dma_wait3A_38 = arith.constant 0 : i32
    %dma_wait3A_39 = tpu.memref_slice %arg5[%dma_wait3A_38] : memref<256xi32, #tpu.memory_space<vmem>> -> memref<64xi32, #tpu.memory_space<vmem>>
    %dma_wait3A_40 = tpu.memref_slice %arg2[%dma_wait3A, %mul3A_2] : memref<4x2048xi32, #tpu.memory_space<hbm>> -> memref<1x64xi32, #tpu.memory_space<hbm>>
    %dma_wait3A_41 = tpu.memref_squeeze %dma_wait3A_40 : memref<1x64xi32, #tpu.memory_space<hbm>> -> memref<64xi32, #tpu.memory_space<hbm>>
    %dma_wait3A_42 = arith.constant 0 : i32
    %dma_wait3A_43 = tpu.memref_slice %arg5[%dma_wait3A_42] : memref<256xi32, #tpu.memory_space<vmem>> -> memref<64xi32, #tpu.memory_space<vmem>>
    %dma_wait3A_44 = tpu.memref_slice %arg2[%dma_wait3A, %mul3A_2] : memref<4x2048xi32, #tpu.memory_space<hbm>> -> memref<1x64xi32, #tpu.memory_space<hbm>>
    %dma_wait3A_45 = tpu.memref_squeeze %dma_wait3A_44 : memref<1x64xi32, #tpu.memory_space<hbm>> -> memref<64xi32, #tpu.memory_space<hbm>>
    tpu.wait_dma2 semaphore(%arg8 : memref<!tpu.dma_semaphore, #tpu.memory_space<semaphore_mem>>) src(%dma_wait3A_45 : memref<64xi32, #tpu.memory_space<hbm>>) dst(%dma_wait3A_43 : memref<64xi32, #tpu.memory_space<vmem>>)
    %dma_wait3A_46 = arith.constant 1 : i32
    %dma_wait3A_47 = arith.constant 64 : i32
    %dma_wait3A_48 = tpu.memref_slice %arg5[%dma_wait3A_47] : memref<256xi32, #tpu.memory_space<vmem>> -> memref<64xi32, #tpu.memory_space<vmem>>
    %dma_wait3A_49 = tpu.memref_slice %arg2[%dma_wait3A_46, %mul3A_2] : memref<4x2048xi32, #tpu.memory_space<hbm>> -> memref<1x64xi32, #tpu.memory_space<hbm>>
    %dma_wait3A_50 = tpu.memref_squeeze %dma_wait3A_49 : memref<1x64xi32, #tpu.memory_space<hbm>> -> memref<64xi32, #tpu.memory_space<hbm>>
    %dma_wait3A_51 = arith.constant 64 : i32
    %dma_wait3A_52 = tpu.memref_slice %arg5[%dma_wait3A_51] : memref<256xi32, #tpu.memory_space<vmem>> -> memref<64xi32, #tpu.memory_space<vmem>>
    %dma_wait3A_53 = tpu.memref_slice %arg2[%dma_wait3A_46, %mul3A_2] : memref<4x2048xi32, #tpu.memory_space<hbm>> -> memref<1x64xi32, #tpu.memory_space<hbm>>
    %dma_wait3A_54 = tpu.memref_squeeze %dma_wait3A_53 : memref<1x64xi32, #tpu.memory_space<hbm>> -> memref<64xi32, #tpu.memory_space<hbm>>
    tpu.wait_dma2 semaphore(%arg8 : memref<!tpu.dma_semaphore, #tpu.memory_space<semaphore_mem>>) src(%dma_wait3A_54 : memref<64xi32, #tpu.memory_space<hbm>>) dst(%dma_wait3A_52 : memref<64xi32, #tpu.memory_space<vmem>>)
    %dma_wait3A_55 = arith.constant 2 : i32
    %dma_wait3A_56 = arith.constant 128 : i32
    %dma_wait3A_57 = tpu.memref_slice %arg5[%dma_wait3A_56] : memref<256xi32, #tpu.memory_space<vmem>> -> memref<64xi32, #tpu.memory_space<vmem>>
    %dma_wait3A_58 = tpu.memref_slice %arg2[%dma_wait3A_55, %mul3A_2] : memref<4x2048xi32, #tpu.memory_space<hbm>> -> memref<1x64xi32, #tpu.memory_space<hbm>>
    %dma_wait3A_59 = tpu.memref_squeeze %dma_wait3A_58 : memref<1x64xi32, #tpu.memory_space<hbm>> -> memref<64xi32, #tpu.memory_space<hbm>>
    %dma_wait3A_60 = arith.constant 128 : i32
    %dma_wait3A_61 = tpu.memref_slice %arg5[%dma_wait3A_60] : memref<256xi32, #tpu.memory_space<vmem>> -> memref<64xi32, #tpu.memory_space<vmem>>
    %dma_wait3A_62 = tpu.memref_slice %arg2[%dma_wait3A_55, %mul3A_2] : memref<4x2048xi32, #tpu.memory_space<hbm>> -> memref<1x64xi32, #tpu.memory_space<hbm>>
    %dma_wait3A_63 = tpu.memref_squeeze %dma_wait3A_62 : memref<1x64xi32, #tpu.memory_space<hbm>> -> memref<64xi32, #tpu.memory_space<hbm>>
    tpu.wait_dma2 semaphore(%arg8 : memref<!tpu.dma_semaphore, #tpu.memory_space<semaphore_mem>>) src(%dma_wait3A_63 : memref<64xi32, #tpu.memory_space<hbm>>) dst(%dma_wait3A_61 : memref<64xi32, #tpu.memory_space<vmem>>)
    %dma_wait3A_64 = arith.constant 3 : i32
    %dma_wait3A_65 = arith.constant 192 : i32
    %dma_wait3A_66 = tpu.memref_slice %arg5[%dma_wait3A_65] : memref<256xi32, #tpu.memory_space<vmem>> -> memref<64xi32, #tpu.memory_space<vmem>>
    %dma_wait3A_67 = tpu.memref_slice %arg2[%dma_wait3A_64, %mul3A_2] : memref<4x2048xi32, #tpu.memory_space<hbm>> -> memref<1x64xi32, #tpu.memory_space<hbm>>
    %dma_wait3A_68 = tpu.memref_squeeze %dma_wait3A_67 : memref<1x64xi32, #tpu.memory_space<hbm>> -> memref<64xi32, #tpu.memory_space<hbm>>
    %dma_wait3A_69 = arith.constant 192 : i32
    %dma_wait3A_70 = tpu.memref_slice %arg5[%dma_wait3A_69] : memref<256xi32, #tpu.memory_space<vmem>> -> memref<64xi32, #tpu.memory_space<vmem>>
    %dma_wait3A_71 = tpu.memref_slice %arg2[%dma_wait3A_64, %mul3A_2] : memref<4x2048xi32, #tpu.memory_space<hbm>> -> memref<1x64xi32, #tpu.memory_space<hbm>>
    %dma_wait3A_72 = tpu.memref_squeeze %dma_wait3A_71 : memref<1x64xi32, #tpu.memory_space<hbm>> -> memref<64xi32, #tpu.memory_space<hbm>>
    tpu.wait_dma2 semaphore(%arg8 : memref<!tpu.dma_semaphore, #tpu.memory_space<semaphore_mem>>) src(%dma_wait3A_72 : memref<64xi32, #tpu.memory_space<hbm>>) dst(%dma_wait3A_70 : memref<64xi32, #tpu.memory_space<vmem>>)
    %dma_start3A_73 = arith.constant 0 : i32
    %dma_start3A_74 = arith.constant 0 : i32
    %dma_start3A_75 = arith.constant 0 : i32
    %dma_start3A_76 = tpu.memref_slice %arg6[%dma_start3A_73, %dma_start3A_74, %dma_start3A_75] : memref<4x64x128xf32, #tpu.memory_space<vmem>> -> memref<1x64x128xf32, #tpu.memory_space<vmem>>
    %dma_start3A_77 = tpu.memref_squeeze %dma_start3A_76 : memref<1x64x128xf32, #tpu.memory_space<vmem>> -> memref<64x128xf32, #tpu.memory_space<vmem>>
    %dma_start3A_78 = arith.constant 0 : i32
    %dma_start3A_79 = tpu.memref_slice %arg5[%dma_start3A_78] : memref<256xi32, #tpu.memory_space<vmem>> -> memref<64xi32, #tpu.memory_space<vmem>>
    %dma_start3A_80 = arith.constant 0 : i32
    %dma_start3A_81 = arith.constant 0 : i32
    %dma_start3A_82 = tpu.memref_slice %arg3[%dma_start3A_80, %dma_start3A_81] : memref<1000000x128xf32, #tpu.memory_space<hbm>> -> memref<1000000x128xf32, #tpu.memory_space<hbm>>
    tpu.enqueue_indirect_dma source(%dma_start3A_82 : memref<1000000x128xf32, #tpu.memory_space<hbm>>) target(%dma_start3A_77 : memref<64x128xf32, #tpu.memory_space<vmem>>) offsets(%dma_start3A_79 : memref<64xi32, #tpu.memory_space<vmem>>) semaphore(%arg9 : memref<!tpu.dma_semaphore, #tpu.memory_space<semaphore_mem>>)
    %dma_start3A_83 = arith.constant 1 : i32
    %dma_start3A_84 = arith.constant 0 : i32
    %dma_start3A_85 = arith.constant 0 : i32
    %dma_start3A_86 = tpu.memref_slice %arg6[%dma_start3A_83, %dma_start3A_84, %dma_start3A_85] : memref<4x64x128xf32, #tpu.memory_space<vmem>> -> memref<1x64x128xf32, #tpu.memory_space<vmem>>
    %dma_start3A_87 = tpu.memref_squeeze %dma_start3A_86 : memref<1x64x128xf32, #tpu.memory_space<vmem>> -> memref<64x128xf32, #tpu.memory_space<vmem>>
    %dma_start3A_88 = arith.constant 64 : i32
    %dma_start3A_89 = tpu.memref_slice %arg5[%dma_start3A_88] : memref<256xi32, #tpu.memory_space<vmem>> -> memref<64xi32, #tpu.memory_space<vmem>>
    %dma_start3A_90 = arith.constant 0 : i32
    %dma_start3A_91 = arith.constant 0 : i32
    %dma_start3A_92 = tpu.memref_slice %arg3[%dma_start3A_90, %dma_start3A_91] : memref<1000000x128xf32, #tpu.memory_space<hbm>> -> memref<1000000x128xf32, #tpu.memory_space<hbm>>
    tpu.enqueue_indirect_dma source(%dma_start3A_92 : memref<1000000x128xf32, #tpu.memory_space<hbm>>) target(%dma_start3A_87 : memref<64x128xf32, #tpu.memory_space<vmem>>) offsets(%dma_start3A_89 : memref<64xi32, #tpu.memory_space<vmem>>) semaphore(%arg9 : memref<!tpu.dma_semaphore, #tpu.memory_space<semaphore_mem>>)
    %dma_start3A_93 = arith.constant 2 : i32
    %dma_start3A_94 = arith.constant 0 : i32
    %dma_start3A_95 = arith.constant 0 : i32
    %dma_start3A_96 = tpu.memref_slice %arg6[%dma_start3A_93, %dma_start3A_94, %dma_start3A_95] : memref<4x64x128xf32, #tpu.memory_space<vmem>> -> memref<1x64x128xf32, #tpu.memory_space<vmem>>
    %dma_start3A_97 = tpu.memref_squeeze %dma_start3A_96 : memref<1x64x128xf32, #tpu.memory_space<vmem>> -> memref<64x128xf32, #tpu.memory_space<vmem>>
    %dma_start3A_98 = arith.constant 128 : i32
    %dma_start3A_99 = tpu.memref_slice %arg5[%dma_start3A_98] : memref<256xi32, #tpu.memory_space<vmem>> -> memref<64xi32, #tpu.memory_space<vmem>>
    %dma_start3A_100 = arith.constant 0 : i32
    %dma_start3A_101 = arith.constant 0 : i32
    %dma_start3A_102 = tpu.memref_slice %arg3[%dma_start3A_100, %dma_start3A_101] : memref<1000000x128xf32, #tpu.memory_space<hbm>> -> memref<1000000x128xf32, #tpu.memory_space<hbm>>
    tpu.enqueue_indirect_dma source(%dma_start3A_102 : memref<1000000x128xf32, #tpu.memory_space<hbm>>) target(%dma_start3A_97 : memref<64x128xf32, #tpu.memory_space<vmem>>) offsets(%dma_start3A_99 : memref<64xi32, #tpu.memory_space<vmem>>) semaphore(%arg9 : memref<!tpu.dma_semaphore, #tpu.memory_space<semaphore_mem>>)
    %dma_start3A_103 = arith.constant 3 : i32
    %dma_start3A_104 = arith.constant 0 : i32
    %dma_start3A_105 = arith.constant 0 : i32
    %dma_start3A_106 = tpu.memref_slice %arg6[%dma_start3A_103, %dma_start3A_104, %dma_start3A_105] : memref<4x64x128xf32, #tpu.memory_space<vmem>> -> memref<1x64x128xf32, #tpu.memory_space<vmem>>
    %dma_start3A_107 = tpu.memref_squeeze %dma_start3A_106 : memref<1x64x128xf32, #tpu.memory_space<vmem>> -> memref<64x128xf32, #tpu.memory_space<vmem>>
    %dma_start3A_108 = arith.constant 192 : i32
    %dma_start3A_109 = tpu.memref_slice %arg5[%dma_start3A_108] : memref<256xi32, #tpu.memory_space<vmem>> -> memref<64xi32, #tpu.memory_space<vmem>>
    %dma_start3A_110 = arith.constant 0 : i32
    %dma_start3A_111 = arith.constant 0 : i32
    %dma_start3A_112 = tpu.memref_slice %arg3[%dma_start3A_110, %dma_start3A_111] : memref<1000000x128xf32, #tpu.memory_space<hbm>> -> memref<1000000x128xf32, #tpu.memory_space<hbm>>
    tpu.enqueue_indirect_dma source(%dma_start3A_112 : memref<1000000x128xf32, #tpu.memory_space<hbm>>) target(%dma_start3A_107 : memref<64x128xf32, #tpu.memory_space<vmem>>) offsets(%dma_start3A_109 : memref<64xi32, #tpu.memory_space<vmem>>) semaphore(%arg9 : memref<!tpu.dma_semaphore, #tpu.memory_space<semaphore_mem>>)
    %iota3A = tpu.iota {dimensions = array<i32: 0>} : vector<16xi32>
    %convert_element_type3A = arith.sitofp %iota3A : vector<16xi32> to vector<16xf32>
    %add3A_113 = arith.constant 0.000000e+00 : f32
    %add3A_114 = vector.broadcast %add3A_113 : f32 to vector<16xf32>
    %add3A_115 = arith.addf %convert_element_type3A, %add3A_114 : vector<16xf32>
    %mul3A_116 = arith.constant -0.14391157 : f32
    %mul3A_117 = vector.broadcast %mul3A_116 : f32 to vector<16xf32>
    %mul3A_118 = arith.mulf %add3A_115, %mul3A_117 : vector<16xf32>
    %exp3A = math.exp %mul3A_118 : vector<16xf32>
    %mul3A_119 = arith.mulf %exp3A, %exp3A : vector<16xf32>
    %mul3A_120 = arith.constant 2.48015876E-5 : f32
    %mul3A_121 = vector.broadcast %mul3A_120 : f32 to vector<16xf32>
    %mul3A_122 = arith.mulf %mul3A_119, %mul3A_121 : vector<16xf32>
    %add3A_123 = arith.constant -0.00138888892 : f32
    %add3A_124 = vector.broadcast %add3A_123 : f32 to vector<16xf32>
    %add3A_125 = arith.addf %add3A_124, %mul3A_122 : vector<16xf32>
    %mul3A_126 = arith.mulf %mul3A_119, %add3A_125 : vector<16xf32>
    %add3A_127 = arith.constant 0.0416666679 : f32
    %add3A_128 = vector.broadcast %add3A_127 : f32 to vector<16xf32>
    %add3A_129 = arith.addf %add3A_128, %mul3A_126 : vector<16xf32>
    %mul3A_130 = arith.mulf %mul3A_119, %add3A_129 : vector<16xf32>
    %add3A_131 = arith.constant -5.000000e-01 : f32
    %add3A_132 = vector.broadcast %add3A_131 : f32 to vector<16xf32>
    %add3A_133 = arith.addf %add3A_132, %mul3A_130 : vector<16xf32>
    %mul3A_134 = arith.mulf %mul3A_119, %add3A_133 : vector<16xf32>
    %add3A_135 = arith.constant 1.000000e+00 : f32
    %add3A_136 = vector.broadcast %add3A_135 : f32 to vector<16xf32>
    %add3A_137 = arith.addf %add3A_136, %mul3A_134 : vector<16xf32>
    %mul3A_138 = arith.constant 2.75573188E-6 : f32
    %mul3A_139 = vector.broadcast %mul3A_138 : f32 to vector<16xf32>
    %mul3A_140 = arith.mulf %mul3A_119, %mul3A_139 : vector<16xf32>
    %add3A_141 = arith.constant -1.98412701E-4 : f32
    %add3A_142 = vector.broadcast %add3A_141 : f32 to vector<16xf32>
    %add3A_143 = arith.addf %add3A_142, %mul3A_140 : vector<16xf32>
    %mul3A_144 = arith.mulf %mul3A_119, %add3A_143 : vector<16xf32>
    %add3A_145 = arith.constant 0.00833333377 : f32
    %add3A_146 = vector.broadcast %add3A_145 : f32 to vector<16xf32>
    %add3A_147 = arith.addf %add3A_146, %mul3A_144 : vector<16xf32>
    %mul3A_148 = arith.mulf %mul3A_119, %add3A_147 : vector<16xf32>
    %add3A_149 = arith.constant -0.166666672 : f32
    %add3A_150 = vector.broadcast %add3A_149 : f32 to vector<16xf32>
    %add3A_151 = arith.addf %add3A_150, %mul3A_148 : vector<16xf32>
    %mul3A_152 = arith.mulf %mul3A_119, %add3A_151 : vector<16xf32>
    %add3A_153 = arith.constant 1.000000e+00 : f32
    %add3A_154 = vector.broadcast %add3A_153 : f32 to vector<16xf32>
    %add3A_155 = arith.addf %add3A_154, %mul3A_152 : vector<16xf32>
    %mul3A_156 = arith.mulf %exp3A, %add3A_155 : vector<16xf32>
    %add3A_157 = arith.constant 1.600000e+01 : f32
    %add3A_158 = vector.broadcast %add3A_157 : f32 to vector<16xf32>
    %add3A_159 = arith.addf %convert_element_type3A, %add3A_158 : vector<16xf32>
    %mul3A_160 = arith.constant -0.14391157 : f32
    %mul3A_161 = vector.broadcast %mul3A_160 : f32 to vector<16xf32>
    %mul3A_162 = arith.mulf %add3A_159, %mul3A_161 : vector<16xf32>
    %exp3A_163 = math.exp %mul3A_162 : vector<16xf32>
    %mul3A_164 = arith.mulf %exp3A_163, %exp3A_163 : vector<16xf32>
    %mul3A_165 = arith.constant 2.48015876E-5 : f32
    %mul3A_166 = vector.broadcast %mul3A_165 : f32 to vector<16xf32>
    %mul3A_167 = arith.mulf %mul3A_164, %mul3A_166 : vector<16xf32>
    %add3A_168 = arith.constant -0.00138888892 : f32
    %add3A_169 = vector.broadcast %add3A_168 : f32 to vector<16xf32>
    %add3A_170 = arith.addf %add3A_169, %mul3A_167 : vector<16xf32>
    %mul3A_171 = arith.mulf %mul3A_164, %add3A_170 : vector<16xf32>
    %add3A_172 = arith.constant 0.0416666679 : f32
    %add3A_173 = vector.broadcast %add3A_172 : f32 to vector<16xf32>
    %add3A_174 = arith.addf %add3A_173, %mul3A_171 : vector<16xf32>
    %mul3A_175 = arith.mulf %mul3A_164, %add3A_174 : vector<16xf32>
    %add3A_176 = arith.constant -5.000000e-01 : f32
    %add3A_177 = vector.broadcast %add3A_176 : f32 to vector<16xf32>
    %add3A_178 = arith.addf %add3A_177, %mul3A_175 : vector<16xf32>
    %mul3A_179 = arith.mulf %mul3A_164, %add3A_178 : vector<16xf32>
    %add3A_180 = arith.constant 1.000000e+00 : f32
    %add3A_181 = vector.broadcast %add3A_180 : f32 to vector<16xf32>
    %add3A_182 = arith.addf %add3A_181, %mul3A_179 : vector<16xf32>
    %mul3A_183 = arith.constant 2.75573188E-6 : f32
    %mul3A_184 = vector.broadcast %mul3A_183 : f32 to vector<16xf32>
    %mul3A_185 = arith.mulf %mul3A_164, %mul3A_184 : vector<16xf32>
    %add3A_186 = arith.constant -1.98412701E-4 : f32
    %add3A_187 = vector.broadcast %add3A_186 : f32 to vector<16xf32>
    %add3A_188 = arith.addf %add3A_187, %mul3A_185 : vector<16xf32>
    %mul3A_189 = arith.mulf %mul3A_164, %add3A_188 : vector<16xf32>
    %add3A_190 = arith.constant 0.00833333377 : f32
    %add3A_191 = vector.broadcast %add3A_190 : f32 to vector<16xf32>
    %add3A_192 = arith.addf %add3A_191, %mul3A_189 : vector<16xf32>
    %mul3A_193 = arith.mulf %mul3A_164, %add3A_192 : vector<16xf32>
    %add3A_194 = arith.constant -0.166666672 : f32
    %add3A_195 = vector.broadcast %add3A_194 : f32 to vector<16xf32>
    %add3A_196 = arith.addf %add3A_195, %mul3A_193 : vector<16xf32>
    %mul3A_197 = arith.mulf %mul3A_164, %add3A_196 : vector<16xf32>
    %add3A_198 = arith.constant 1.000000e+00 : f32
    %add3A_199 = vector.broadcast %add3A_198 : f32 to vector<16xf32>
    %add3A_200 = arith.addf %add3A_199, %mul3A_197 : vector<16xf32>
    %mul3A_201 = arith.mulf %exp3A_163, %add3A_200 : vector<16xf32>
    %add3A_202 = arith.constant 3.200000e+01 : f32
    %add3A_203 = vector.broadcast %add3A_202 : f32 to vector<16xf32>
    %add3A_204 = arith.addf %convert_element_type3A, %add3A_203 : vector<16xf32>
    %mul3A_205 = arith.constant -0.14391157 : f32
    %mul3A_206 = vector.broadcast %mul3A_205 : f32 to vector<16xf32>
    %mul3A_207 = arith.mulf %add3A_204, %mul3A_206 : vector<16xf32>
    %exp3A_208 = math.exp %mul3A_207 : vector<16xf32>
    %mul3A_209 = arith.mulf %exp3A_208, %exp3A_208 : vector<16xf32>
    %mul3A_210 = arith.constant 2.48015876E-5 : f32
    %mul3A_211 = vector.broadcast %mul3A_210 : f32 to vector<16xf32>
    %mul3A_212 = arith.mulf %mul3A_209, %mul3A_211 : vector<16xf32>
    %add3A_213 = arith.constant -0.00138888892 : f32
    %add3A_214 = vector.broadcast %add3A_213 : f32 to vector<16xf32>
    %add3A_215 = arith.addf %add3A_214, %mul3A_212 : vector<16xf32>
    %mul3A_216 = arith.mulf %mul3A_209, %add3A_215 : vector<16xf32>
    %add3A_217 = arith.constant 0.0416666679 : f32
    %add3A_218 = vector.broadcast %add3A_217 : f32 to vector<16xf32>
    %add3A_219 = arith.addf %add3A_218, %mul3A_216 : vector<16xf32>
    %mul3A_220 = arith.mulf %mul3A_209, %add3A_219 : vector<16xf32>
    %add3A_221 = arith.constant -5.000000e-01 : f32
    %add3A_222 = vector.broadcast %add3A_221 : f32 to vector<16xf32>
    %add3A_223 = arith.addf %add3A_222, %mul3A_220 : vector<16xf32>
    %mul3A_224 = arith.mulf %mul3A_209, %add3A_223 : vector<16xf32>
    %add3A_225 = arith.constant 1.000000e+00 : f32
    %add3A_226 = vector.broadcast %add3A_225 : f32 to vector<16xf32>
    %add3A_227 = arith.addf %add3A_226, %mul3A_224 : vector<16xf32>
    %mul3A_228 = arith.constant 2.75573188E-6 : f32
    %mul3A_229 = vector.broadcast %mul3A_228 : f32 to vector<16xf32>
    %mul3A_230 = arith.mulf %mul3A_209, %mul3A_229 : vector<16xf32>
    %add3A_231 = arith.constant -1.98412701E-4 : f32
    %add3A_232 = vector.broadcast %add3A_231 : f32 to vector<16xf32>
    %add3A_233 = arith.addf %add3A_232, %mul3A_230 : vector<16xf32>
    %mul3A_234 = arith.mulf %mul3A_209, %add3A_233 : vector<16xf32>
    %add3A_235 = arith.constant 0.00833333377 : f32
    %add3A_236 = vector.broadcast %add3A_235 : f32 to vector<16xf32>
    %add3A_237 = arith.addf %add3A_236, %mul3A_234 : vector<16xf32>
    %mul3A_238 = arith.mulf %mul3A_209, %add3A_237 : vector<16xf32>
    %add3A_239 = arith.constant -0.166666672 : f32
    %add3A_240 = vector.broadcast %add3A_239 : f32 to vector<16xf32>
    %add3A_241 = arith.addf %add3A_240, %mul3A_238 : vector<16xf32>
    %mul3A_242 = arith.mulf %mul3A_209, %add3A_241 : vector<16xf32>
    %add3A_243 = arith.constant 1.000000e+00 : f32
    %add3A_244 = vector.broadcast %add3A_243 : f32 to vector<16xf32>
    %add3A_245 = arith.addf %add3A_244, %mul3A_242 : vector<16xf32>
    %mul3A_246 = arith.mulf %exp3A_208, %add3A_245 : vector<16xf32>
    %add3A_247 = arith.constant 4.800000e+01 : f32
    %add3A_248 = vector.broadcast %add3A_247 : f32 to vector<16xf32>
    %add3A_249 = arith.addf %convert_element_type3A, %add3A_248 : vector<16xf32>
    %mul3A_250 = arith.constant -0.14391157 : f32
    %mul3A_251 = vector.broadcast %mul3A_250 : f32 to vector<16xf32>
    %mul3A_252 = arith.mulf %add3A_249, %mul3A_251 : vector<16xf32>
    %exp3A_253 = math.exp %mul3A_252 : vector<16xf32>
    %mul3A_254 = arith.mulf %exp3A_253, %exp3A_253 : vector<16xf32>
    %mul3A_255 = arith.constant 2.48015876E-5 : f32
    %mul3A_256 = vector.broadcast %mul3A_255 : f32 to vector<16xf32>
    %mul3A_257 = arith.mulf %mul3A_254, %mul3A_256 : vector<16xf32>
    %add3A_258 = arith.constant -0.00138888892 : f32
    %add3A_259 = vector.broadcast %add3A_258 : f32 to vector<16xf32>
    %add3A_260 = arith.addf %add3A_259, %mul3A_257 : vector<16xf32>
    %mul3A_261 = arith.mulf %mul3A_254, %add3A_260 : vector<16xf32>
    %add3A_262 = arith.constant 0.0416666679 : f32
    %add3A_263 = vector.broadcast %add3A_262 : f32 to vector<16xf32>
    %add3A_264 = arith.addf %add3A_263, %mul3A_261 : vector<16xf32>
    %mul3A_265 = arith.mulf %mul3A_254, %add3A_264 : vector<16xf32>
    %add3A_266 = arith.constant -5.000000e-01 : f32
    %add3A_267 = vector.broadcast %add3A_266 : f32 to vector<16xf32>
    %add3A_268 = arith.addf %add3A_267, %mul3A_265 : vector<16xf32>
    %mul3A_269 = arith.mulf %mul3A_254, %add3A_268 : vector<16xf32>
    %add3A_270 = arith.constant 1.000000e+00 : f32
    %add3A_271 = vector.broadcast %add3A_270 : f32 to vector<16xf32>
    %add3A_272 = arith.addf %add3A_271, %mul3A_269 : vector<16xf32>
    %mul3A_273 = arith.constant 2.75573188E-6 : f32
    %mul3A_274 = vector.broadcast %mul3A_273 : f32 to vector<16xf32>
    %mul3A_275 = arith.mulf %mul3A_254, %mul3A_274 : vector<16xf32>
    %add3A_276 = arith.constant -1.98412701E-4 : f32
    %add3A_277 = vector.broadcast %add3A_276 : f32 to vector<16xf32>
    %add3A_278 = arith.addf %add3A_277, %mul3A_275 : vector<16xf32>
    %mul3A_279 = arith.mulf %mul3A_254, %add3A_278 : vector<16xf32>
    %add3A_280 = arith.constant 0.00833333377 : f32
    %add3A_281 = vector.broadcast %add3A_280 : f32 to vector<16xf32>
    %add3A_282 = arith.addf %add3A_281, %mul3A_279 : vector<16xf32>
    %mul3A_283 = arith.mulf %mul3A_254, %add3A_282 : vector<16xf32>
    %add3A_284 = arith.constant -0.166666672 : f32
    %add3A_285 = vector.broadcast %add3A_284 : f32 to vector<16xf32>
    %add3A_286 = arith.addf %add3A_285, %mul3A_283 : vector<16xf32>
    %mul3A_287 = arith.mulf %mul3A_254, %add3A_286 : vector<16xf32>
    %add3A_288 = arith.constant 1.000000e+00 : f32
    %add3A_289 = vector.broadcast %add3A_288 : f32 to vector<16xf32>
    %add3A_290 = arith.addf %add3A_289, %mul3A_287 : vector<16xf32>
    %mul3A_291 = arith.mulf %exp3A_253, %add3A_290 : vector<16xf32>
    %mul3A_292 = arith.mulf %add3A_137, %add3A_137 : vector<16xf32>
    %mul3A_293 = arith.mulf %mul3A_156, %mul3A_156 : vector<16xf32>
    %sub3A = arith.subf %mul3A_292, %mul3A_293 : vector<16xf32>
    %mul3A_294 = arith.mulf %add3A_182, %add3A_182 : vector<16xf32>
    %mul3A_295 = arith.mulf %mul3A_201, %mul3A_201 : vector<16xf32>
    %sub3A_296 = arith.subf %mul3A_294, %mul3A_295 : vector<16xf32>
    %mul3A_297 = arith.mulf %add3A_227, %add3A_227 : vector<16xf32>
    %mul3A_298 = arith.mulf %mul3A_246, %mul3A_246 : vector<16xf32>
    %sub3A_299 = arith.subf %mul3A_297, %mul3A_298 : vector<16xf32>
    %mul3A_300 = arith.mulf %add3A_272, %add3A_272 : vector<16xf32>
    %mul3A_301 = arith.mulf %mul3A_291, %mul3A_291 : vector<16xf32>
    %sub3A_302 = arith.subf %mul3A_300, %mul3A_301 : vector<16xf32>
    %mul3A_303 = arith.constant 2.000000e+00 : f32
    %mul3A_304 = vector.broadcast %mul3A_303 : f32 to vector<16xf32>
    %mul3A_305 = arith.mulf %mul3A_304, %add3A_137 : vector<16xf32>
    %mul3A_306 = arith.mulf %mul3A_305, %mul3A_156 : vector<16xf32>
    %mul3A_307 = arith.constant 2.000000e+00 : f32
    %mul3A_308 = vector.broadcast %mul3A_307 : f32 to vector<16xf32>
    %mul3A_309 = arith.mulf %mul3A_308, %add3A_182 : vector<16xf32>
    %mul3A_310 = arith.mulf %mul3A_309, %mul3A_201 : vector<16xf32>
    %mul3A_311 = arith.constant 2.000000e+00 : f32
    %mul3A_312 = vector.broadcast %mul3A_311 : f32 to vector<16xf32>
    %mul3A_313 = arith.mulf %mul3A_312, %add3A_227 : vector<16xf32>
    %mul3A_314 = arith.mulf %mul3A_313, %mul3A_246 : vector<16xf32>
    %mul3A_315 = arith.constant 2.000000e+00 : f32
    %mul3A_316 = vector.broadcast %mul3A_315 : f32 to vector<16xf32>
    %mul3A_317 = arith.mulf %mul3A_316, %add3A_272 : vector<16xf32>
    %mul3A_318 = arith.mulf %mul3A_317, %mul3A_291 : vector<16xf32>
    %mul3A_319 = arith.mulf %sub3A, %sub3A : vector<16xf32>
    %mul3A_320 = arith.mulf %mul3A_306, %mul3A_306 : vector<16xf32>
    %sub3A_321 = arith.subf %mul3A_319, %mul3A_320 : vector<16xf32>
    %mul3A_322 = arith.mulf %sub3A_296, %sub3A_296 : vector<16xf32>
    %mul3A_323 = arith.mulf %mul3A_310, %mul3A_310 : vector<16xf32>
    %sub3A_324 = arith.subf %mul3A_322, %mul3A_323 : vector<16xf32>
    %mul3A_325 = arith.mulf %sub3A_299, %sub3A_299 : vector<16xf32>
    %mul3A_326 = arith.mulf %mul3A_314, %mul3A_314 : vector<16xf32>
    %sub3A_327 = arith.subf %mul3A_325, %mul3A_326 : vector<16xf32>
    %mul3A_328 = arith.mulf %sub3A_302, %sub3A_302 : vector<16xf32>
    %mul3A_329 = arith.mulf %mul3A_318, %mul3A_318 : vector<16xf32>
    %sub3A_330 = arith.subf %mul3A_328, %mul3A_329 : vector<16xf32>
    %mul3A_331 = arith.constant 2.000000e+00 : f32
    %mul3A_332 = vector.broadcast %mul3A_331 : f32 to vector<16xf32>
    %mul3A_333 = arith.mulf %mul3A_332, %sub3A : vector<16xf32>
    %mul3A_334 = arith.mulf %mul3A_333, %mul3A_306 : vector<16xf32>
    %mul3A_335 = arith.constant 2.000000e+00 : f32
    %mul3A_336 = vector.broadcast %mul3A_335 : f32 to vector<16xf32>
    %mul3A_337 = arith.mulf %mul3A_336, %sub3A_296 : vector<16xf32>
    %mul3A_338 = arith.mulf %mul3A_337, %mul3A_310 : vector<16xf32>
    %mul3A_339 = arith.constant 2.000000e+00 : f32
    %mul3A_340 = vector.broadcast %mul3A_339 : f32 to vector<16xf32>
    %mul3A_341 = arith.mulf %mul3A_340, %sub3A_299 : vector<16xf32>
    %mul3A_342 = arith.mulf %mul3A_341, %mul3A_314 : vector<16xf32>
    %mul3A_343 = arith.constant 2.000000e+00 : f32
    %mul3A_344 = vector.broadcast %mul3A_343 : f32 to vector<16xf32>
    %mul3A_345 = arith.mulf %mul3A_344, %sub3A_302 : vector<16xf32>
    %mul3A_346 = arith.mulf %mul3A_345, %mul3A_318 : vector<16xf32>
    %mul3A_347 = arith.mulf %sub3A_321, %sub3A_321 : vector<16xf32>
    %mul3A_348 = arith.mulf %mul3A_334, %mul3A_334 : vector<16xf32>
    %sub3A_349 = arith.subf %mul3A_347, %mul3A_348 : vector<16xf32>
    %mul3A_350 = arith.mulf %sub3A_324, %sub3A_324 : vector<16xf32>
    %mul3A_351 = arith.mulf %mul3A_338, %mul3A_338 : vector<16xf32>
    %sub3A_352 = arith.subf %mul3A_350, %mul3A_351 : vector<16xf32>
    %mul3A_353 = arith.mulf %sub3A_327, %sub3A_327 : vector<16xf32>
    %mul3A_354 = arith.mulf %mul3A_342, %mul3A_342 : vector<16xf32>
    %sub3A_355 = arith.subf %mul3A_353, %mul3A_354 : vector<16xf32>
    %mul3A_356 = arith.mulf %sub3A_330, %sub3A_330 : vector<16xf32>
    %mul3A_357 = arith.mulf %mul3A_346, %mul3A_346 : vector<16xf32>
    %sub3A_358 = arith.subf %mul3A_356, %mul3A_357 : vector<16xf32>
    %mul3A_359 = arith.constant 2.000000e+00 : f32
    %mul3A_360 = vector.broadcast %mul3A_359 : f32 to vector<16xf32>
    %mul3A_361 = arith.mulf %mul3A_360, %sub3A_321 : vector<16xf32>
    %mul3A_362 = arith.mulf %mul3A_361, %mul3A_334 : vector<16xf32>
    %mul3A_363 = arith.constant 2.000000e+00 : f32
    %mul3A_364 = vector.broadcast %mul3A_363 : f32 to vector<16xf32>
    %mul3A_365 = arith.mulf %mul3A_364, %sub3A_324 : vector<16xf32>
    %mul3A_366 = arith.mulf %mul3A_365, %mul3A_338 : vector<16xf32>
    %mul3A_367 = arith.constant 2.000000e+00 : f32
    %mul3A_368 = vector.broadcast %mul3A_367 : f32 to vector<16xf32>
    %mul3A_369 = arith.mulf %mul3A_368, %sub3A_327 : vector<16xf32>
    %mul3A_370 = arith.mulf %mul3A_369, %mul3A_342 : vector<16xf32>
    %mul3A_371 = arith.constant 2.000000e+00 : f32
    %mul3A_372 = vector.broadcast %mul3A_371 : f32 to vector<16xf32>
    %mul3A_373 = arith.mulf %mul3A_372, %sub3A_330 : vector<16xf32>
    %mul3A_374 = arith.mulf %mul3A_373, %mul3A_346 : vector<16xf32>
    %mul3A_375 = arith.mulf %sub3A_349, %sub3A_349 : vector<16xf32>
    %mul3A_376 = arith.mulf %mul3A_362, %mul3A_362 : vector<16xf32>
    %sub3A_377 = arith.subf %mul3A_375, %mul3A_376 : vector<16xf32>
    %mul3A_378 = arith.mulf %sub3A_352, %sub3A_352 : vector<16xf32>
    %mul3A_379 = arith.mulf %mul3A_366, %mul3A_366 : vector<16xf32>
    %sub3A_380 = arith.subf %mul3A_378, %mul3A_379 : vector<16xf32>
    %mul3A_381 = arith.mulf %sub3A_355, %sub3A_355 : vector<16xf32>
    %mul3A_382 = arith.mulf %mul3A_370, %mul3A_370 : vector<16xf32>
    %sub3A_383 = arith.subf %mul3A_381, %mul3A_382 : vector<16xf32>
    %mul3A_384 = arith.mulf %sub3A_358, %sub3A_358 : vector<16xf32>
    %mul3A_385 = arith.mulf %mul3A_374, %mul3A_374 : vector<16xf32>
    %sub3A_386 = arith.subf %mul3A_384, %mul3A_385 : vector<16xf32>
    %mul3A_387 = arith.constant 2.000000e+00 : f32
    %mul3A_388 = vector.broadcast %mul3A_387 : f32 to vector<16xf32>
    %mul3A_389 = arith.mulf %mul3A_388, %sub3A_349 : vector<16xf32>
    %mul3A_390 = arith.mulf %mul3A_389, %mul3A_362 : vector<16xf32>
    %mul3A_391 = arith.constant 2.000000e+00 : f32
    %mul3A_392 = vector.broadcast %mul3A_391 : f32 to vector<16xf32>
    %mul3A_393 = arith.mulf %mul3A_392, %sub3A_352 : vector<16xf32>
    %mul3A_394 = arith.mulf %mul3A_393, %mul3A_366 : vector<16xf32>
    %mul3A_395 = arith.constant 2.000000e+00 : f32
    %mul3A_396 = vector.broadcast %mul3A_395 : f32 to vector<16xf32>
    %mul3A_397 = arith.mulf %mul3A_396, %sub3A_355 : vector<16xf32>
    %mul3A_398 = arith.mulf %mul3A_397, %mul3A_370 : vector<16xf32>
    %mul3A_399 = arith.constant 2.000000e+00 : f32
    %mul3A_400 = vector.broadcast %mul3A_399 : f32 to vector<16xf32>
    %mul3A_401 = arith.mulf %mul3A_400, %sub3A_358 : vector<16xf32>
    %mul3A_402 = arith.mulf %mul3A_401, %mul3A_374 : vector<16xf32>
    %mul3A_403 = arith.mulf %sub3A_377, %sub3A_377 : vector<16xf32>
    %mul3A_404 = arith.mulf %mul3A_390, %mul3A_390 : vector<16xf32>
    %sub3A_405 = arith.subf %mul3A_403, %mul3A_404 : vector<16xf32>
    %mul3A_406 = arith.mulf %sub3A_380, %sub3A_380 : vector<16xf32>
    %mul3A_407 = arith.mulf %mul3A_394, %mul3A_394 : vector<16xf32>
    %sub3A_408 = arith.subf %mul3A_406, %mul3A_407 : vector<16xf32>
    %mul3A_409 = arith.mulf %sub3A_383, %sub3A_383 : vector<16xf32>
    %mul3A_410 = arith.mulf %mul3A_398, %mul3A_398 : vector<16xf32>
    %sub3A_411 = arith.subf %mul3A_409, %mul3A_410 : vector<16xf32>
    %mul3A_412 = arith.mulf %sub3A_386, %sub3A_386 : vector<16xf32>
    %mul3A_413 = arith.mulf %mul3A_402, %mul3A_402 : vector<16xf32>
    %sub3A_414 = arith.subf %mul3A_412, %mul3A_413 : vector<16xf32>
    %mul3A_415 = arith.constant 2.000000e+00 : f32
    %mul3A_416 = vector.broadcast %mul3A_415 : f32 to vector<16xf32>
    %mul3A_417 = arith.mulf %mul3A_416, %sub3A_377 : vector<16xf32>
    %mul3A_418 = arith.mulf %mul3A_417, %mul3A_390 : vector<16xf32>
    %mul3A_419 = arith.constant 2.000000e+00 : f32
    %mul3A_420 = vector.broadcast %mul3A_419 : f32 to vector<16xf32>
    %mul3A_421 = arith.mulf %mul3A_420, %sub3A_380 : vector<16xf32>
    %mul3A_422 = arith.mulf %mul3A_421, %mul3A_394 : vector<16xf32>
    %mul3A_423 = arith.constant 2.000000e+00 : f32
    %mul3A_424 = vector.broadcast %mul3A_423 : f32 to vector<16xf32>
    %mul3A_425 = arith.mulf %mul3A_424, %sub3A_383 : vector<16xf32>
    %mul3A_426 = arith.mulf %mul3A_425, %mul3A_398 : vector<16xf32>
    %mul3A_427 = arith.constant 2.000000e+00 : f32
    %mul3A_428 = vector.broadcast %mul3A_427 : f32 to vector<16xf32>
    %mul3A_429 = arith.mulf %mul3A_428, %sub3A_386 : vector<16xf32>
    %mul3A_430 = arith.mulf %mul3A_429, %mul3A_402 : vector<16xf32>
    %mul3A_431 = arith.mulf %sub3A_405, %sub3A_405 : vector<16xf32>
    %mul3A_432 = arith.mulf %mul3A_418, %mul3A_418 : vector<16xf32>
    %sub3A_433 = arith.subf %mul3A_431, %mul3A_432 : vector<16xf32>
    %mul3A_434 = arith.mulf %sub3A_408, %sub3A_408 : vector<16xf32>
    %mul3A_435 = arith.mulf %mul3A_422, %mul3A_422 : vector<16xf32>
    %sub3A_436 = arith.subf %mul3A_434, %mul3A_435 : vector<16xf32>
    %mul3A_437 = arith.mulf %sub3A_411, %sub3A_411 : vector<16xf32>
    %mul3A_438 = arith.mulf %mul3A_426, %mul3A_426 : vector<16xf32>
    %sub3A_439 = arith.subf %mul3A_437, %mul3A_438 : vector<16xf32>
    %mul3A_440 = arith.mulf %sub3A_414, %sub3A_414 : vector<16xf32>
    %mul3A_441 = arith.mulf %mul3A_430, %mul3A_430 : vector<16xf32>
    %sub3A_442 = arith.subf %mul3A_440, %mul3A_441 : vector<16xf32>
    %mul3A_443 = arith.constant 2.000000e+00 : f32
    %mul3A_444 = vector.broadcast %mul3A_443 : f32 to vector<16xf32>
    %mul3A_445 = arith.mulf %mul3A_444, %sub3A_405 : vector<16xf32>
    %mul3A_446 = arith.mulf %mul3A_445, %mul3A_418 : vector<16xf32>
    %mul3A_447 = arith.constant 2.000000e+00 : f32
    %mul3A_448 = vector.broadcast %mul3A_447 : f32 to vector<16xf32>
    %mul3A_449 = arith.mulf %mul3A_448, %sub3A_408 : vector<16xf32>
    %mul3A_450 = arith.mulf %mul3A_449, %mul3A_422 : vector<16xf32>
    %mul3A_451 = arith.constant 2.000000e+00 : f32
    %mul3A_452 = vector.broadcast %mul3A_451 : f32 to vector<16xf32>
    %mul3A_453 = arith.mulf %mul3A_452, %sub3A_411 : vector<16xf32>
    %mul3A_454 = arith.mulf %mul3A_453, %mul3A_426 : vector<16xf32>
    %mul3A_455 = arith.constant 2.000000e+00 : f32
    %mul3A_456 = vector.broadcast %mul3A_455 : f32 to vector<16xf32>
    %mul3A_457 = arith.mulf %mul3A_456, %sub3A_414 : vector<16xf32>
    %mul3A_458 = arith.mulf %mul3A_457, %mul3A_430 : vector<16xf32>
    %mul3A_459 = arith.constant 0.000000e+00 : f32
    %mul3A_460 = vector.broadcast %mul3A_459 : f32 to vector<16xf32>
    %mul3A_461 = arith.mulf %convert_element_type3A, %mul3A_460 : vector<16xf32>
    %add3A_462 = arith.constant 1.000000e+00 : f32
    %add3A_463 = vector.broadcast %add3A_462 : f32 to vector<16xf32>
    %add3A_464 = arith.addf %mul3A_461, %add3A_463 : vector<16xf32>
    %mul3A_465 = arith.constant 0.000000e+00 : f32
    %mul3A_466 = vector.broadcast %mul3A_465 : f32 to vector<16xf32>
    %mul3A_467 = arith.mulf %convert_element_type3A, %mul3A_466 : vector<16xf32>
    %while3A = arith.constant 0 : i32
    %while3A_468 = arith.subi %add3A, %while3A : i32
    %while3A_469 = arith.addi %while3A, %while3A_468 : i32
    %while3A_470 = arith.constant 1 : i32
    %while3A_471 = arith.divsi %while3A_468, %while3A_470 : i32
    %while3A_472 = arith.muli %while3A_471, %while3A_470 : i32
    %while3A_473 = arith.addi %while3A, %while3A_472 : i32
    %while3A_474 = arith.constant 1 : i32
    %while3A_475:8 = scf.for %while3A_722 = %while3A to %while3A_473 step %while3A_474 iter_args(%while3A_723 = %add3A_464, %while3A_724 = %add3A_464, %while3A_725 = %add3A_464, %while3A_726 = %add3A_464, %while3A_727 = %mul3A_467, %while3A_728 = %mul3A_467, %while3A_729 = %mul3A_467, %while3A_730 = %mul3A_467) -> (vector<16xf32>, vector<16xf32>, vector<16xf32>, vector<16xf32>, vector<16xf32>, vector<16xf32>, vector<16xf32>, vector<16xf32>)  : i32 {
      %mul3A_731 = arith.mulf %while3A_723, %sub3A_433 : vector<16xf32>
      %mul3A_732 = arith.mulf %while3A_727, %mul3A_446 : vector<16xf32>
      %sub3A_733 = arith.subf %mul3A_731, %mul3A_732 : vector<16xf32>
      %mul3A_734 = arith.mulf %while3A_724, %sub3A_436 : vector<16xf32>
      %mul3A_735 = arith.mulf %while3A_728, %mul3A_450 : vector<16xf32>
      %sub3A_736 = arith.subf %mul3A_734, %mul3A_735 : vector<16xf32>
      %mul3A_737 = arith.mulf %while3A_725, %sub3A_439 : vector<16xf32>
      %mul3A_738 = arith.mulf %while3A_729, %mul3A_454 : vector<16xf32>
      %sub3A_739 = arith.subf %mul3A_737, %mul3A_738 : vector<16xf32>
      %mul3A_740 = arith.mulf %while3A_726, %sub3A_442 : vector<16xf32>
      %mul3A_741 = arith.mulf %while3A_730, %mul3A_458 : vector<16xf32>
      %sub3A_742 = arith.subf %mul3A_740, %mul3A_741 : vector<16xf32>
      %mul3A_743 = arith.mulf %while3A_727, %sub3A_433 : vector<16xf32>
      %mul3A_744 = arith.mulf %while3A_723, %mul3A_446 : vector<16xf32>
      %add3A_745 = arith.addf %mul3A_743, %mul3A_744 : vector<16xf32>
      %mul3A_746 = arith.mulf %while3A_728, %sub3A_436 : vector<16xf32>
      %mul3A_747 = arith.mulf %while3A_724, %mul3A_450 : vector<16xf32>
      %add3A_748 = arith.addf %mul3A_746, %mul3A_747 : vector<16xf32>
      %mul3A_749 = arith.mulf %while3A_729, %sub3A_439 : vector<16xf32>
      %mul3A_750 = arith.mulf %while3A_725, %mul3A_454 : vector<16xf32>
      %add3A_751 = arith.addf %mul3A_749, %mul3A_750 : vector<16xf32>
      %mul3A_752 = arith.mulf %while3A_730, %sub3A_442 : vector<16xf32>
      %mul3A_753 = arith.mulf %while3A_726, %mul3A_458 : vector<16xf32>
      %add3A_754 = arith.addf %mul3A_752, %mul3A_753 : vector<16xf32>
      scf.yield %sub3A_733, %sub3A_736, %sub3A_739, %sub3A_742, %add3A_745, %add3A_748, %add3A_751, %add3A_754 : vector<16xf32>, vector<16xf32>, vector<16xf32>, vector<16xf32>, vector<16xf32>, vector<16xf32>, vector<16xf32>, vector<16xf32>
    }
    %while3A_476 = arith.constant 1 : i32
    %while3A_477:8 = scf.for %while3A_722 = %while3A_473 to %while3A_469 step %while3A_476 iter_args(%while3A_723 = %while3A_475#0, %while3A_724 = %while3A_475#1, %while3A_725 = %while3A_475#2, %while3A_726 = %while3A_475#3, %while3A_727 = %while3A_475#4, %while3A_728 = %while3A_475#5, %while3A_729 = %while3A_475#6, %while3A_730 = %while3A_475#7) -> (vector<16xf32>, vector<16xf32>, vector<16xf32>, vector<16xf32>, vector<16xf32>, vector<16xf32>, vector<16xf32>, vector<16xf32>)  : i32 {
      %mul3A_731 = arith.mulf %while3A_723, %sub3A_433 : vector<16xf32>
      %mul3A_732 = arith.mulf %while3A_727, %mul3A_446 : vector<16xf32>
      %sub3A_733 = arith.subf %mul3A_731, %mul3A_732 : vector<16xf32>
      %mul3A_734 = arith.mulf %while3A_724, %sub3A_436 : vector<16xf32>
      %mul3A_735 = arith.mulf %while3A_728, %mul3A_450 : vector<16xf32>
      %sub3A_736 = arith.subf %mul3A_734, %mul3A_735 : vector<16xf32>
      %mul3A_737 = arith.mulf %while3A_725, %sub3A_439 : vector<16xf32>
      %mul3A_738 = arith.mulf %while3A_729, %mul3A_454 : vector<16xf32>
      %sub3A_739 = arith.subf %mul3A_737, %mul3A_738 : vector<16xf32>
      %mul3A_740 = arith.mulf %while3A_726, %sub3A_442 : vector<16xf32>
      %mul3A_741 = arith.mulf %while3A_730, %mul3A_458 : vector<16xf32>
      %sub3A_742 = arith.subf %mul3A_740, %mul3A_741 : vector<16xf32>
      %mul3A_743 = arith.mulf %while3A_727, %sub3A_433 : vector<16xf32>
      %mul3A_744 = arith.mulf %while3A_723, %mul3A_446 : vector<16xf32>
      %add3A_745 = arith.addf %mul3A_743, %mul3A_744 : vector<16xf32>
      %mul3A_746 = arith.mulf %while3A_728, %sub3A_436 : vector<16xf32>
      %mul3A_747 = arith.mulf %while3A_724, %mul3A_450 : vector<16xf32>
      %add3A_748 = arith.addf %mul3A_746, %mul3A_747 : vector<16xf32>
      %mul3A_749 = arith.mulf %while3A_729, %sub3A_439 : vector<16xf32>
      %mul3A_750 = arith.mulf %while3A_725, %mul3A_454 : vector<16xf32>
      %add3A_751 = arith.addf %mul3A_749, %mul3A_750 : vector<16xf32>
      %mul3A_752 = arith.mulf %while3A_730, %sub3A_442 : vector<16xf32>
      %mul3A_753 = arith.mulf %while3A_726, %mul3A_458 : vector<16xf32>
      %add3A_754 = arith.addf %mul3A_752, %mul3A_753 : vector<16xf32>
      scf.yield %sub3A_733, %sub3A_736, %sub3A_739, %sub3A_742, %add3A_745, %add3A_748, %add3A_751, %add3A_754 : vector<16xf32>, vector<16xf32>, vector<16xf32>, vector<16xf32>, vector<16xf32>, vector<16xf32>, vector<16xf32>, vector<16xf32>
    }
    %swap3A = arith.constant 0 : i32
    %swap3A_478 = arith.index_cast %swap3A : i32 to index
    %swap3A_479 = arith.constant 0 : index
    %swap3A_480 = tpu.vector_load %arg7[%swap3A_478, %swap3A_479] {strides = array<i32>} : memref<64x128xf32, #tpu.memory_space<vmem>>, vector<1x16xf32>,
    %swap3A_481 = vector.shape_cast %swap3A_480 : vector<1x16xf32> to vector<16xf32>
    %swap3A_482 = vector.shape_cast %while3A_477#0 : vector<16xf32> to vector<1x16xf32>
    tpu.vector_store %arg7[%swap3A_478, %swap3A_479], %swap3A_482 {strides = array<i32>} : memref<64x128xf32, #tpu.memory_space<vmem>>, vector<1x16xf32>,
    %swap3A_483 = arith.constant 0 : i32
    %swap3A_484 = arith.index_cast %swap3A_483 : i32 to index
    %swap3A_485 = arith.constant 64 : index
    %swap3A_486 = tpu.vector_load %arg7[%swap3A_484, %swap3A_485] {strides = array<i32>} : memref<64x128xf32, #tpu.memory_space<vmem>>, vector<1x16xf32>,
    %swap3A_487 = vector.shape_cast %swap3A_486 : vector<1x16xf32> to vector<16xf32>
    %swap3A_488 = vector.shape_cast %while3A_477#4 : vector<16xf32> to vector<1x16xf32>
    tpu.vector_store %arg7[%swap3A_484, %swap3A_485], %swap3A_488 {strides = array<i32>} : memref<64x128xf32, #tpu.memory_space<vmem>>, vector<1x16xf32>,
    %swap3A_489 = arith.constant 0 : i32
    %swap3A_490 = arith.index_cast %swap3A_489 : i32 to index
    %swap3A_491 = arith.constant 16 : index
    %swap3A_492 = tpu.vector_load %arg7[%swap3A_490, %swap3A_491] {strides = array<i32>} : memref<64x128xf32, #tpu.memory_space<vmem>>, vector<1x16xf32>,
    %swap3A_493 = vector.shape_cast %swap3A_492 : vector<1x16xf32> to vector<16xf32>
    %swap3A_494 = vector.shape_cast %while3A_477#1 : vector<16xf32> to vector<1x16xf32>
    tpu.vector_store %arg7[%swap3A_490, %swap3A_491], %swap3A_494 {strides = array<i32>} : memref<64x128xf32, #tpu.memory_space<vmem>>, vector<1x16xf32>,
    %swap3A_495 = arith.constant 0 : i32
    %swap3A_496 = arith.index_cast %swap3A_495 : i32 to index
    %swap3A_497 = arith.constant 80 : index
    %swap3A_498 = tpu.vector_load %arg7[%swap3A_496, %swap3A_497] {strides = array<i32>} : memref<64x128xf32, #tpu.memory_space<vmem>>, vector<1x16xf32>,
    %swap3A_499 = vector.shape_cast %swap3A_498 : vector<1x16xf32> to vector<16xf32>
    %swap3A_500 = vector.shape_cast %while3A_477#5 : vector<16xf32> to vector<1x16xf32>
    tpu.vector_store %arg7[%swap3A_496, %swap3A_497], %swap3A_500 {strides = array<i32>} : memref<64x128xf32, #tpu.memory_space<vmem>>, vector<1x16xf32>,
    %swap3A_501 = arith.constant 0 : i32
    %swap3A_502 = arith.index_cast %swap3A_501 : i32 to index
    %swap3A_503 = arith.constant 32 : index
    %swap3A_504 = tpu.vector_load %arg7[%swap3A_502, %swap3A_503] {strides = array<i32>} : memref<64x128xf32, #tpu.memory_space<vmem>>, vector<1x16xf32>,
    %swap3A_505 = vector.shape_cast %swap3A_504 : vector<1x16xf32> to vector<16xf32>
    %swap3A_506 = vector.shape_cast %while3A_477#2 : vector<16xf32> to vector<1x16xf32>
    tpu.vector_store %arg7[%swap3A_502, %swap3A_503], %swap3A_506 {strides = array<i32>} : memref<64x128xf32, #tpu.memory_space<vmem>>, vector<1x16xf32>,
    %swap3A_507 = arith.constant 0 : i32
    %swap3A_508 = arith.index_cast %swap3A_507 : i32 to index
    %swap3A_509 = arith.constant 96 : index
    %swap3A_510 = tpu.vector_load %arg7[%swap3A_508, %swap3A_509] {strides = array<i32>} : memref<64x128xf32, #tpu.memory_space<vmem>>, vector<1x16xf32>,
    %swap3A_511 = vector.shape_cast %swap3A_510 : vector<1x16xf32> to vector<16xf32>
    %swap3A_512 = vector.shape_cast %while3A_477#6 : vector<16xf32> to vector<1x16xf32>
    tpu.vector_store %arg7[%swap3A_508, %swap3A_509], %swap3A_512 {strides = array<i32>} : memref<64x128xf32, #tpu.memory_space<vmem>>, vector<1x16xf32>,
    %swap3A_513 = arith.constant 0 : i32
    %swap3A_514 = arith.index_cast %swap3A_513 : i32 to index
    %swap3A_515 = arith.constant 48 : index
    %swap3A_516 = tpu.vector_load %arg7[%swap3A_514, %swap3A_515] {strides = array<i32>} : memref<64x128xf32, #tpu.memory_space<vmem>>, vector<1x16xf32>,
    %swap3A_517 = vector.shape_cast %swap3A_516 : vector<1x16xf32> to vector<16xf32>
    %swap3A_518 = vector.shape_cast %while3A_477#3 : vector<16xf32> to vector<1x16xf32>
    tpu.vector_store %arg7[%swap3A_514, %swap3A_515], %swap3A_518 {strides = array<i32>} : memref<64x128xf32, #tpu.memory_space<vmem>>, vector<1x16xf32>,
    %swap3A_519 = arith.constant 0 : i32
    %swap3A_520 = arith.index_cast %swap3A_519 : i32 to index
    %swap3A_521 = arith.constant 112 : index
    %swap3A_522 = tpu.vector_load %arg7[%swap3A_520, %swap3A_521] {strides = array<i32>} : memref<64x128xf32, #tpu.memory_space<vmem>>, vector<1x16xf32>,
    %swap3A_523 = vector.shape_cast %swap3A_522 : vector<1x16xf32> to vector<16xf32>
    %swap3A_524 = vector.shape_cast %while3A_477#7 : vector<16xf32> to vector<1x16xf32>
    tpu.vector_store %arg7[%swap3A_520, %swap3A_521], %swap3A_524 {strides = array<i32>} : memref<64x128xf32, #tpu.memory_space<vmem>>, vector<1x16xf32>,
    %scan3A = arith.constant 1 : i32
    %scan3A_525 = arith.constant 63 : i32
    %scan3A_526 = arith.addi %scan3A, %scan3A_525 : i32
    %scan3A_527 = arith.constant 1 : i32
    %scan3A_528:8 = scf.for %scan3A_722 = %scan3A to %scan3A_526 step %scan3A_527 iter_args(%scan3A_723 = %while3A_477#0, %scan3A_724 = %while3A_477#1, %scan3A_725 = %while3A_477#2, %scan3A_726 = %while3A_477#3, %scan3A_727 = %while3A_477#4, %scan3A_728 = %while3A_477#5, %scan3A_729 = %while3A_477#6, %scan3A_730 = %while3A_477#7) -> (vector<16xf32>, vector<16xf32>, vector<16xf32>, vector<16xf32>, vector<16xf32>, vector<16xf32>, vector<16xf32>, vector<16xf32>)  : i32 {
      %mul3A_731 = arith.mulf %scan3A_723, %add3A_137 : vector<16xf32>
      %mul3A_732 = arith.mulf %scan3A_727, %mul3A_156 : vector<16xf32>
      %sub3A_733 = arith.subf %mul3A_731, %mul3A_732 : vector<16xf32>
      %mul3A_734 = arith.mulf %scan3A_724, %add3A_182 : vector<16xf32>
      %mul3A_735 = arith.mulf %scan3A_728, %mul3A_201 : vector<16xf32>
      %sub3A_736 = arith.subf %mul3A_734, %mul3A_735 : vector<16xf32>
      %mul3A_737 = arith.mulf %scan3A_725, %add3A_227 : vector<16xf32>
      %mul3A_738 = arith.mulf %scan3A_729, %mul3A_246 : vector<16xf32>
      %sub3A_739 = arith.subf %mul3A_737, %mul3A_738 : vector<16xf32>
      %mul3A_740 = arith.mulf %scan3A_726, %add3A_272 : vector<16xf32>
      %mul3A_741 = arith.mulf %scan3A_730, %mul3A_291 : vector<16xf32>
      %sub3A_742 = arith.subf %mul3A_740, %mul3A_741 : vector<16xf32>
      %mul3A_743 = arith.mulf %scan3A_727, %add3A_137 : vector<16xf32>
      %mul3A_744 = arith.mulf %scan3A_723, %mul3A_156 : vector<16xf32>
      %add3A_745 = arith.addf %mul3A_743, %mul3A_744 : vector<16xf32>
      %mul3A_746 = arith.mulf %scan3A_728, %add3A_182 : vector<16xf32>
      %mul3A_747 = arith.mulf %scan3A_724, %mul3A_201 : vector<16xf32>
      %add3A_748 = arith.addf %mul3A_746, %mul3A_747 : vector<16xf32>
      %mul3A_749 = arith.mulf %scan3A_729, %add3A_227 : vector<16xf32>
      %mul3A_750 = arith.mulf %scan3A_725, %mul3A_246 : vector<16xf32>
      %add3A_751 = arith.addf %mul3A_749, %mul3A_750 : vector<16xf32>
      %mul3A_752 = arith.mulf %scan3A_730, %add3A_272 : vector<16xf32>
      %mul3A_753 = arith.mulf %scan3A_726, %mul3A_291 : vector<16xf32>
      %add3A_754 = arith.addf %mul3A_752, %mul3A_753 : vector<16xf32>
      %swap3A_755 = arith.index_cast %scan3A_722 : i32 to index
      %swap3A_756 = arith.constant 0 : index
      %swap3A_757 = tpu.vector_load %arg7[%swap3A_755, %swap3A_756] {strides = array<i32>} : memref<64x128xf32, #tpu.memory_space<vmem>>, vector<1x16xf32>,
      %swap3A_758 = vector.shape_cast %swap3A_757 : vector<1x16xf32> to vector<16xf32>
      %swap3A_759 = vector.shape_cast %sub3A_733 : vector<16xf32> to vector<1x16xf32>
      tpu.vector_store %arg7[%swap3A_755, %swap3A_756], %swap3A_759 {strides = array<i32>} : memref<64x128xf32, #tpu.memory_space<vmem>>, vector<1x16xf32>,
      %swap3A_760 = arith.index_cast %scan3A_722 : i32 to index
      %swap3A_761 = arith.constant 64 : index
      %swap3A_762 = tpu.vector_load %arg7[%swap3A_760, %swap3A_761] {strides = array<i32>} : memref<64x128xf32, #tpu.memory_space<vmem>>, vector<1x16xf32>,
      %swap3A_763 = vector.shape_cast %swap3A_762 : vector<1x16xf32> to vector<16xf32>
      %swap3A_764 = vector.shape_cast %add3A_745 : vector<16xf32> to vector<1x16xf32>
      tpu.vector_store %arg7[%swap3A_760, %swap3A_761], %swap3A_764 {strides = array<i32>} : memref<64x128xf32, #tpu.memory_space<vmem>>, vector<1x16xf32>,
      %swap3A_765 = arith.index_cast %scan3A_722 : i32 to index
      %swap3A_766 = arith.constant 16 : index
      %swap3A_767 = tpu.vector_load %arg7[%swap3A_765, %swap3A_766] {strides = array<i32>} : memref<64x128xf32, #tpu.memory_space<vmem>>, vector<1x16xf32>,
      %swap3A_768 = vector.shape_cast %swap3A_767 : vector<1x16xf32> to vector<16xf32>
      %swap3A_769 = vector.shape_cast %sub3A_736 : vector<16xf32> to vector<1x16xf32>
      tpu.vector_store %arg7[%swap3A_765, %swap3A_766], %swap3A_769 {strides = array<i32>} : memref<64x128xf32, #tpu.memory_space<vmem>>, vector<1x16xf32>,
      %swap3A_770 = arith.index_cast %scan3A_722 : i32 to index
      %swap3A_771 = arith.constant 80 : index
      %swap3A_772 = tpu.vector_load %arg7[%swap3A_770, %swap3A_771] {strides = array<i32>} : memref<64x128xf32, #tpu.memory_space<vmem>>, vector<1x16xf32>,
      %swap3A_773 = vector.shape_cast %swap3A_772 : vector<1x16xf32> to vector<16xf32>
      %swap3A_774 = vector.shape_cast %add3A_748 : vector<16xf32> to vector<1x16xf32>
      tpu.vector_store %arg7[%swap3A_770, %swap3A_771], %swap3A_774 {strides = array<i32>} : memref<64x128xf32, #tpu.memory_space<vmem>>, vector<1x16xf32>,
      %swap3A_775 = arith.index_cast %scan3A_722 : i32 to index
      %swap3A_776 = arith.constant 32 : index
      %swap3A_777 = tpu.vector_load %arg7[%swap3A_775, %swap3A_776] {strides = array<i32>} : memref<64x128xf32, #tpu.memory_space<vmem>>, vector<1x16xf32>,
      %swap3A_778 = vector.shape_cast %swap3A_777 : vector<1x16xf32> to vector<16xf32>
      %swap3A_779 = vector.shape_cast %sub3A_739 : vector<16xf32> to vector<1x16xf32>
      tpu.vector_store %arg7[%swap3A_775, %swap3A_776], %swap3A_779 {strides = array<i32>} : memref<64x128xf32, #tpu.memory_space<vmem>>, vector<1x16xf32>,
      %swap3A_780 = arith.index_cast %scan3A_722 : i32 to index
      %swap3A_781 = arith.constant 96 : index
      %swap3A_782 = tpu.vector_load %arg7[%swap3A_780, %swap3A_781] {strides = array<i32>} : memref<64x128xf32, #tpu.memory_space<vmem>>, vector<1x16xf32>,
      %swap3A_783 = vector.shape_cast %swap3A_782 : vector<1x16xf32> to vector<16xf32>
      %swap3A_784 = vector.shape_cast %add3A_751 : vector<16xf32> to vector<1x16xf32>
      tpu.vector_store %arg7[%swap3A_780, %swap3A_781], %swap3A_784 {strides = array<i32>} : memref<64x128xf32, #tpu.memory_space<vmem>>, vector<1x16xf32>,
      %swap3A_785 = arith.index_cast %scan3A_722 : i32 to index
      %swap3A_786 = arith.constant 48 : index
      %swap3A_787 = tpu.vector_load %arg7[%swap3A_785, %swap3A_786] {strides = array<i32>} : memref<64x128xf32, #tpu.memory_space<vmem>>, vector<1x16xf32>,
      %swap3A_788 = vector.shape_cast %swap3A_787 : vector<1x16xf32> to vector<16xf32>
      %swap3A_789 = vector.shape_cast %sub3A_742 : vector<16xf32> to vector<1x16xf32>
      tpu.vector_store %arg7[%swap3A_785, %swap3A_786], %swap3A_789 {strides = array<i32>} : memref<64x128xf32, #tpu.memory_space<vmem>>, vector<1x16xf32>,
      %swap3A_790 = arith.index_cast %scan3A_722 : i32 to index
      %swap3A_791 = arith.constant 112 : index
      %swap3A_792 = tpu.vector_load %arg7[%swap3A_790, %swap3A_791] {strides = array<i32>} : memref<64x128xf32, #tpu.memory_space<vmem>>, vector<1x16xf32>,
      %swap3A_793 = vector.shape_cast %swap3A_792 : vector<1x16xf32> to vector<16xf32>
      %swap3A_794 = vector.shape_cast %add3A_754 : vector<16xf32> to vector<1x16xf32>
      tpu.vector_store %arg7[%swap3A_790, %swap3A_791], %swap3A_794 {strides = array<i32>} : memref<64x128xf32, #tpu.memory_space<vmem>>, vector<1x16xf32>,
      scf.yield %sub3A_733, %sub3A_736, %sub3A_739, %sub3A_742, %add3A_745, %add3A_748, %add3A_751, %add3A_754 : vector<16xf32>, vector<16xf32>, vector<16xf32>, vector<16xf32>, vector<16xf32>, vector<16xf32>, vector<16xf32>, vector<16xf32>
    }
    %scan3A_529 = arith.constant 63 : i32
    %dma_wait3A_530 = arith.constant 0 : i32
    %dma_wait3A_531 = arith.constant 0 : i32
    %dma_wait3A_532 = arith.constant 0 : i32
    %dma_wait3A_533 = tpu.memref_slice %arg6[%dma_wait3A_530, %dma_wait3A_531, %dma_wait3A_532] : memref<4x64x128xf32, #tpu.memory_space<vmem>> -> memref<1x64x128xf32, #tpu.memory_space<vmem>>
    %dma_wait3A_534 = tpu.memref_squeeze %dma_wait3A_533 : memref<1x64x128xf32, #tpu.memory_space<vmem>> -> memref<64x128xf32, #tpu.memory_space<vmem>>
    %dma_wait3A_535 = arith.constant 0 : i32
    %dma_wait3A_536 = tpu.memref_slice %arg5[%dma_wait3A_535] : memref<256xi32, #tpu.memory_space<vmem>> -> memref<64xi32, #tpu.memory_space<vmem>>
    %dma_wait3A_537 = arith.constant 0 : i32
    %dma_wait3A_538 = arith.constant 0 : i32
    %dma_wait3A_539 = tpu.memref_slice %arg3[%dma_wait3A_537, %dma_wait3A_538] : memref<1000000x128xf32, #tpu.memory_space<hbm>> -> memref<1000000x128xf32, #tpu.memory_space<hbm>>
    tpu.wait_indirect_dma semaphore(%arg9 : memref<!tpu.dma_semaphore, #tpu.memory_space<semaphore_mem>>) src(%dma_wait3A_539 : memref<1000000x128xf32, #tpu.memory_space<hbm>>) dst(%dma_wait3A_534 : memref<64x128xf32, #tpu.memory_space<vmem>>)
    %scan3A_540 = arith.constant 0 : i32
    %scan3A_541 = arith.constant 0 : i32
    %scan3A_542 = arith.constant 64 : i32
    %scan3A_543 = arith.addi %scan3A_541, %scan3A_542 : i32
    %scan3A_544 = arith.constant 1 : i32
    scf.for %scan3A_722 = %scan3A_541 to %scan3A_543 step %scan3A_544  : i32 {
      %get3A = arith.constant 0 : i32
      %get3A_723 = arith.index_cast %get3A : i32 to index
      %get3A_724 = arith.index_cast %scan3A_722 : i32 to index
      %get3A_725 = arith.constant 0 : index
      %get3A_726 = tpu.vector_load %arg6[%get3A_723, %get3A_724, %get3A_725] {strides = array<i32>} : memref<4x64x128xf32, #tpu.memory_space<vmem>>, vector<1x1x16xf32>,
      %get3A_727 = vector.shape_cast %get3A_726 : vector<1x1x16xf32> to vector<16xf32>
      %get3A_728 = arith.constant 0 : i32
      %get3A_729 = arith.index_cast %get3A_728 : i32 to index
      %get3A_730 = arith.index_cast %scan3A_722 : i32 to index
      %get3A_731 = arith.constant 16 : index
      %get3A_732 = tpu.vector_load %arg6[%get3A_729, %get3A_730, %get3A_731] {strides = array<i32>} : memref<4x64x128xf32, #tpu.memory_space<vmem>>, vector<1x1x16xf32>,
      %get3A_733 = vector.shape_cast %get3A_732 : vector<1x1x16xf32> to vector<16xf32>
      %get3A_734 = arith.constant 0 : i32
      %get3A_735 = arith.index_cast %get3A_734 : i32 to index
      %get3A_736 = arith.index_cast %scan3A_722 : i32 to index
      %get3A_737 = arith.constant 32 : index
      %get3A_738 = tpu.vector_load %arg6[%get3A_735, %get3A_736, %get3A_737] {strides = array<i32>} : memref<4x64x128xf32, #tpu.memory_space<vmem>>, vector<1x1x16xf32>,
      %get3A_739 = vector.shape_cast %get3A_738 : vector<1x1x16xf32> to vector<16xf32>
      %get3A_740 = arith.constant 0 : i32
      %get3A_741 = arith.index_cast %get3A_740 : i32 to index
      %get3A_742 = arith.index_cast %scan3A_722 : i32 to index
      %get3A_743 = arith.constant 48 : index
      %get3A_744 = tpu.vector_load %arg6[%get3A_741, %get3A_742, %get3A_743] {strides = array<i32>} : memref<4x64x128xf32, #tpu.memory_space<vmem>>, vector<1x1x16xf32>,
      %get3A_745 = vector.shape_cast %get3A_744 : vector<1x1x16xf32> to vector<16xf32>
      %get3A_746 = arith.constant 0 : i32
      %get3A_747 = arith.index_cast %get3A_746 : i32 to index
      %get3A_748 = arith.index_cast %scan3A_722 : i32 to index
      %get3A_749 = arith.constant 64 : index
      %get3A_750 = tpu.vector_load %arg6[%get3A_747, %get3A_748, %get3A_749] {strides = array<i32>} : memref<4x64x128xf32, #tpu.memory_space<vmem>>, vector<1x1x16xf32>,
      %get3A_751 = vector.shape_cast %get3A_750 : vector<1x1x16xf32> to vector<16xf32>
      %get3A_752 = arith.constant 0 : i32
      %get3A_753 = arith.index_cast %get3A_752 : i32 to index
      %get3A_754 = arith.index_cast %scan3A_722 : i32 to index
      %get3A_755 = arith.constant 80 : index
      %get3A_756 = tpu.vector_load %arg6[%get3A_753, %get3A_754, %get3A_755] {strides = array<i32>} : memref<4x64x128xf32, #tpu.memory_space<vmem>>, vector<1x1x16xf32>,
      %get3A_757 = vector.shape_cast %get3A_756 : vector<1x1x16xf32> to vector<16xf32>
      %get3A_758 = arith.constant 0 : i32
      %get3A_759 = arith.index_cast %get3A_758 : i32 to index
      %get3A_760 = arith.index_cast %scan3A_722 : i32 to index
      %get3A_761 = arith.constant 96 : index
      %get3A_762 = tpu.vector_load %arg6[%get3A_759, %get3A_760, %get3A_761] {strides = array<i32>} : memref<4x64x128xf32, #tpu.memory_space<vmem>>, vector<1x1x16xf32>,
      %get3A_763 = vector.shape_cast %get3A_762 : vector<1x1x16xf32> to vector<16xf32>
      %get3A_764 = arith.constant 0 : i32
      %get3A_765 = arith.index_cast %get3A_764 : i32 to index
      %get3A_766 = arith.index_cast %scan3A_722 : i32 to index
      %get3A_767 = arith.constant 112 : index
      %get3A_768 = tpu.vector_load %arg6[%get3A_765, %get3A_766, %get3A_767] {strides = array<i32>} : memref<4x64x128xf32, #tpu.memory_space<vmem>>, vector<1x1x16xf32>,
      %get3A_769 = vector.shape_cast %get3A_768 : vector<1x1x16xf32> to vector<16xf32>
      %get3A_770 = arith.index_cast %scan3A_722 : i32 to index
      %get3A_771 = arith.constant 0 : index
      %get3A_772 = tpu.vector_load %arg7[%get3A_770, %get3A_771] {strides = array<i32>} : memref<64x128xf32, #tpu.memory_space<vmem>>, vector<1x16xf32>,
      %get3A_773 = vector.shape_cast %get3A_772 : vector<1x16xf32> to vector<16xf32>
      %get3A_774 = arith.index_cast %scan3A_722 : i32 to index
      %get3A_775 = arith.constant 16 : index
      %get3A_776 = tpu.vector_load %arg7[%get3A_774, %get3A_775] {strides = array<i32>} : memref<64x128xf32, #tpu.memory_space<vmem>>, vector<1x16xf32>,
      %get3A_777 = vector.shape_cast %get3A_776 : vector<1x16xf32> to vector<16xf32>
      %get3A_778 = arith.index_cast %scan3A_722 : i32 to index
      %get3A_779 = arith.constant 32 : index
      %get3A_780 = tpu.vector_load %arg7[%get3A_778, %get3A_779] {strides = array<i32>} : memref<64x128xf32, #tpu.memory_space<vmem>>, vector<1x16xf32>,
      %get3A_781 = vector.shape_cast %get3A_780 : vector<1x16xf32> to vector<16xf32>
      %get3A_782 = arith.index_cast %scan3A_722 : i32 to index
      %get3A_783 = arith.constant 48 : index
      %get3A_784 = tpu.vector_load %arg7[%get3A_782, %get3A_783] {strides = array<i32>} : memref<64x128xf32, #tpu.memory_space<vmem>>, vector<1x16xf32>,
      %get3A_785 = vector.shape_cast %get3A_784 : vector<1x16xf32> to vector<16xf32>
      %get3A_786 = arith.index_cast %scan3A_722 : i32 to index
      %get3A_787 = arith.constant 64 : index
      %get3A_788 = tpu.vector_load %arg7[%get3A_786, %get3A_787] {strides = array<i32>} : memref<64x128xf32, #tpu.memory_space<vmem>>, vector<1x16xf32>,
      %get3A_789 = vector.shape_cast %get3A_788 : vector<1x16xf32> to vector<16xf32>
      %get3A_790 = arith.index_cast %scan3A_722 : i32 to index
      %get3A_791 = arith.constant 80 : index
      %get3A_792 = tpu.vector_load %arg7[%get3A_790, %get3A_791] {strides = array<i32>} : memref<64x128xf32, #tpu.memory_space<vmem>>, vector<1x16xf32>,
      %get3A_793 = vector.shape_cast %get3A_792 : vector<1x16xf32> to vector<16xf32>
      %get3A_794 = arith.index_cast %scan3A_722 : i32 to index
      %get3A_795 = arith.constant 96 : index
      %get3A_796 = tpu.vector_load %arg7[%get3A_794, %get3A_795] {strides = array<i32>} : memref<64x128xf32, #tpu.memory_space<vmem>>, vector<1x16xf32>,
      %get3A_797 = vector.shape_cast %get3A_796 : vector<1x16xf32> to vector<16xf32>
      %get3A_798 = arith.index_cast %scan3A_722 : i32 to index
      %get3A_799 = arith.constant 112 : index
      %get3A_800 = tpu.vector_load %arg7[%get3A_798, %get3A_799] {strides = array<i32>} : memref<64x128xf32, #tpu.memory_space<vmem>>, vector<1x16xf32>,
      %get3A_801 = vector.shape_cast %get3A_800 : vector<1x16xf32> to vector<16xf32>
      %mul3A_802 = arith.mulf %get3A_727, %get3A_773 : vector<16xf32>
      %mul3A_803 = arith.mulf %get3A_751, %get3A_789 : vector<16xf32>
      %sub3A_804 = arith.subf %mul3A_802, %mul3A_803 : vector<16xf32>
      %swap3A_805 = arith.constant 0 : i32
      %swap3A_806 = arith.index_cast %swap3A_805 : i32 to index
      %swap3A_807 = arith.index_cast %scan3A_722 : i32 to index
      %swap3A_808 = arith.constant 0 : index
      %swap3A_809 = tpu.vector_load %arg6[%swap3A_806, %swap3A_807, %swap3A_808] {strides = array<i32>} : memref<4x64x128xf32, #tpu.memory_space<vmem>>, vector<1x1x16xf32>,
      %swap3A_810 = vector.shape_cast %swap3A_809 : vector<1x1x16xf32> to vector<16xf32>
      %swap3A_811 = vector.shape_cast %sub3A_804 : vector<16xf32> to vector<1x1x16xf32>
      tpu.vector_store %arg6[%swap3A_806, %swap3A_807, %swap3A_808], %swap3A_811 {strides = array<i32>} : memref<4x64x128xf32, #tpu.memory_space<vmem>>, vector<1x1x16xf32>,
      %mul3A_812 = arith.mulf %get3A_751, %get3A_773 : vector<16xf32>
      %mul3A_813 = arith.mulf %get3A_727, %get3A_789 : vector<16xf32>
      %add3A_814 = arith.addf %mul3A_812, %mul3A_813 : vector<16xf32>
      %swap3A_815 = arith.constant 0 : i32
      %swap3A_816 = arith.index_cast %swap3A_815 : i32 to index
      %swap3A_817 = arith.index_cast %scan3A_722 : i32 to index
      %swap3A_818 = arith.constant 64 : index
      %swap3A_819 = tpu.vector_load %arg6[%swap3A_816, %swap3A_817, %swap3A_818] {strides = array<i32>} : memref<4x64x128xf32, #tpu.memory_space<vmem>>, vector<1x1x16xf32>,
      %swap3A_820 = vector.shape_cast %swap3A_819 : vector<1x1x16xf32> to vector<16xf32>
      %swap3A_821 = vector.shape_cast %add3A_814 : vector<16xf32> to vector<1x1x16xf32>
      tpu.vector_store %arg6[%swap3A_816, %swap3A_817, %swap3A_818], %swap3A_821 {strides = array<i32>} : memref<4x64x128xf32, #tpu.memory_space<vmem>>, vector<1x1x16xf32>,
      %mul3A_822 = arith.mulf %get3A_733, %get3A_777 : vector<16xf32>
      %mul3A_823 = arith.mulf %get3A_757, %get3A_793 : vector<16xf32>
      %sub3A_824 = arith.subf %mul3A_822, %mul3A_823 : vector<16xf32>
      %swap3A_825 = arith.constant 0 : i32
      %swap3A_826 = arith.index_cast %swap3A_825 : i32 to index
      %swap3A_827 = arith.index_cast %scan3A_722 : i32 to index
      %swap3A_828 = arith.constant 16 : index
      %swap3A_829 = tpu.vector_load %arg6[%swap3A_826, %swap3A_827, %swap3A_828] {strides = array<i32>} : memref<4x64x128xf32, #tpu.memory_space<vmem>>, vector<1x1x16xf32>,
      %swap3A_830 = vector.shape_cast %swap3A_829 : vector<1x1x16xf32> to vector<16xf32>
      %swap3A_831 = vector.shape_cast %sub3A_824 : vector<16xf32> to vector<1x1x16xf32>
      tpu.vector_store %arg6[%swap3A_826, %swap3A_827, %swap3A_828], %swap3A_831 {strides = array<i32>} : memref<4x64x128xf32, #tpu.memory_space<vmem>>, vector<1x1x16xf32>,
      %mul3A_832 = arith.mulf %get3A_757, %get3A_777 : vector<16xf32>
      %mul3A_833 = arith.mulf %get3A_733, %get3A_793 : vector<16xf32>
      %add3A_834 = arith.addf %mul3A_832, %mul3A_833 : vector<16xf32>
      %swap3A_835 = arith.constant 0 : i32
      %swap3A_836 = arith.index_cast %swap3A_835 : i32 to index
      %swap3A_837 = arith.index_cast %scan3A_722 : i32 to index
      %swap3A_838 = arith.constant 80 : index
      %swap3A_839 = tpu.vector_load %arg6[%swap3A_836, %swap3A_837, %swap3A_838] {strides = array<i32>} : memref<4x64x128xf32, #tpu.memory_space<vmem>>, vector<1x1x16xf32>,
      %swap3A_840 = vector.shape_cast %swap3A_839 : vector<1x1x16xf32> to vector<16xf32>
      %swap3A_841 = vector.shape_cast %add3A_834 : vector<16xf32> to vector<1x1x16xf32>
      tpu.vector_store %arg6[%swap3A_836, %swap3A_837, %swap3A_838], %swap3A_841 {strides = array<i32>} : memref<4x64x128xf32, #tpu.memory_space<vmem>>, vector<1x1x16xf32>,
      %mul3A_842 = arith.mulf %get3A_739, %get3A_781 : vector<16xf32>
      %mul3A_843 = arith.mulf %get3A_763, %get3A_797 : vector<16xf32>
      %sub3A_844 = arith.subf %mul3A_842, %mul3A_843 : vector<16xf32>
      %swap3A_845 = arith.constant 0 : i32
      %swap3A_846 = arith.index_cast %swap3A_845 : i32 to index
      %swap3A_847 = arith.index_cast %scan3A_722 : i32 to index
      %swap3A_848 = arith.constant 32 : index
      %swap3A_849 = tpu.vector_load %arg6[%swap3A_846, %swap3A_847, %swap3A_848] {strides = array<i32>} : memref<4x64x128xf32, #tpu.memory_space<vmem>>, vector<1x1x16xf32>,
      %swap3A_850 = vector.shape_cast %swap3A_849 : vector<1x1x16xf32> to vector<16xf32>
      %swap3A_851 = vector.shape_cast %sub3A_844 : vector<16xf32> to vector<1x1x16xf32>
      tpu.vector_store %arg6[%swap3A_846, %swap3A_847, %swap3A_848], %swap3A_851 {strides = array<i32>} : memref<4x64x128xf32, #tpu.memory_space<vmem>>, vector<1x1x16xf32>,
      %mul3A_852 = arith.mulf %get3A_763, %get3A_781 : vector<16xf32>
      %mul3A_853 = arith.mulf %get3A_739, %get3A_797 : vector<16xf32>
      %add3A_854 = arith.addf %mul3A_852, %mul3A_853 : vector<16xf32>
      %swap3A_855 = arith.constant 0 : i32
      %swap3A_856 = arith.index_cast %swap3A_855 : i32 to index
      %swap3A_857 = arith.index_cast %scan3A_722 : i32 to index
      %swap3A_858 = arith.constant 96 : index
      %swap3A_859 = tpu.vector_load %arg6[%swap3A_856, %swap3A_857, %swap3A_858] {strides = array<i32>} : memref<4x64x128xf32, #tpu.memory_space<vmem>>, vector<1x1x16xf32>,
      %swap3A_860 = vector.shape_cast %swap3A_859 : vector<1x1x16xf32> to vector<16xf32>
      %swap3A_861 = vector.shape_cast %add3A_854 : vector<16xf32> to vector<1x1x16xf32>
      tpu.vector_store %arg6[%swap3A_856, %swap3A_857, %swap3A_858], %swap3A_861 {strides = array<i32>} : memref<4x64x128xf32, #tpu.memory_space<vmem>>, vector<1x1x16xf32>,
      %mul3A_862 = arith.mulf %get3A_745, %get3A_785 : vector<16xf32>
      %mul3A_863 = arith.mulf %get3A_769, %get3A_801 : vector<16xf32>
      %sub3A_864 = arith.subf %mul3A_862, %mul3A_863 : vector<16xf32>
      %swap3A_865 = arith.constant 0 : i32
      %swap3A_866 = arith.index_cast %swap3A_865 : i32 to index
      %swap3A_867 = arith.index_cast %scan3A_722 : i32 to index
      %swap3A_868 = arith.constant 48 : index
      %swap3A_869 = tpu.vector_load %arg6[%swap3A_866, %swap3A_867, %swap3A_868] {strides = array<i32>} : memref<4x64x128xf32, #tpu.memory_space<vmem>>, vector<1x1x16xf32>,
      %swap3A_870 = vector.shape_cast %swap3A_869 : vector<1x1x16xf32> to vector<16xf32>
      %swap3A_871 = vector.shape_cast %sub3A_864 : vector<16xf32> to vector<1x1x16xf32>
      tpu.vector_store %arg6[%swap3A_866, %swap3A_867, %swap3A_868], %swap3A_871 {strides = array<i32>} : memref<4x64x128xf32, #tpu.memory_space<vmem>>, vector<1x1x16xf32>,
      %mul3A_872 = arith.mulf %get3A_769, %get3A_785 : vector<16xf32>
      %mul3A_873 = arith.mulf %get3A_745, %get3A_801 : vector<16xf32>
      %add3A_874 = arith.addf %mul3A_872, %mul3A_873 : vector<16xf32>
      %swap3A_875 = arith.constant 0 : i32
      %swap3A_876 = arith.index_cast %swap3A_875 : i32 to index
      %swap3A_877 = arith.index_cast %scan3A_722 : i32 to index
      %swap3A_878 = arith.constant 112 : index
      %swap3A_879 = tpu.vector_load %arg6[%swap3A_876, %swap3A_877, %swap3A_878] {strides = array<i32>} : memref<4x64x128xf32, #tpu.memory_space<vmem>>, vector<1x1x16xf32>,
      %swap3A_880 = vector.shape_cast %swap3A_879 : vector<1x1x16xf32> to vector<16xf32>
      %swap3A_881 = vector.shape_cast %add3A_874 : vector<16xf32> to vector<1x1x16xf32>
      tpu.vector_store %arg6[%swap3A_876, %swap3A_877, %swap3A_878], %swap3A_881 {strides = array<i32>} : memref<4x64x128xf32, #tpu.memory_space<vmem>>, vector<1x1x16xf32>,
    }
    %scan3A_545 = arith.constant 64 : i32
    %dma_start3A_546 = arith.constant 0 : i32
    %dma_start3A_547 = arith.constant 0 : i32
    %dma_start3A_548 = arith.constant 0 : i32
    %dma_start3A_549 = arith.constant 0 : i32
    %dma_start3A_550 = tpu.memref_slice %arg6[%dma_start3A_546, %dma_start3A_548, %dma_start3A_549] : memref<4x64x128xf32, #tpu.memory_space<vmem>> -> memref<1x64x128xf32, #tpu.memory_space<vmem>>
    %dma_start3A_551 = tpu.memref_squeeze %dma_start3A_550 : memref<1x64x128xf32, #tpu.memory_space<vmem>> -> memref<64x128xf32, #tpu.memory_space<vmem>>
    %dma_start3A_552 = arith.constant 0 : i32
    %dma_start3A_553 = tpu.memref_slice %arg4[%dma_start3A_547, %mul3A_2, %dma_start3A_552] : memref<4x2048x128xf32, #tpu.memory_space<hbm>> -> memref<1x64x128xf32, #tpu.memory_space<hbm>>
    %dma_start3A_554 = tpu.memref_squeeze %dma_start3A_553 : memref<1x64x128xf32, #tpu.memory_space<hbm>> -> memref<64x128xf32, #tpu.memory_space<hbm>>
    %dma_start3A_555 = arith.constant 0 : i32
    %dma_start3A_556 = tpu.memref_slice %arg4[%dma_start3A_547, %mul3A_2, %dma_start3A_555] : memref<4x2048x128xf32, #tpu.memory_space<hbm>> -> memref<1x64x128xf32, #tpu.memory_space<hbm>>
    %dma_start3A_557 = tpu.memref_squeeze %dma_start3A_556 : memref<1x64x128xf32, #tpu.memory_space<hbm>> -> memref<64x128xf32, #tpu.memory_space<hbm>>
    %dma_start3A_558 = arith.constant 0 : i32
    %dma_start3A_559 = arith.constant 0 : i32
    %dma_start3A_560 = tpu.memref_slice %arg6[%dma_start3A_546, %dma_start3A_558, %dma_start3A_559] : memref<4x64x128xf32, #tpu.memory_space<vmem>> -> memref<1x64x128xf32, #tpu.memory_space<vmem>>
    %dma_start3A_561 = tpu.memref_squeeze %dma_start3A_560 : memref<1x64x128xf32, #tpu.memory_space<vmem>> -> memref<64x128xf32, #tpu.memory_space<vmem>>
    tpu.enqueue_dma source(%dma_start3A_561 : memref<64x128xf32, #tpu.memory_space<vmem>>) target(%dma_start3A_557 : memref<64x128xf32, #tpu.memory_space<hbm>>) target_semaphore(%arg10 : memref<!tpu.dma_semaphore, #tpu.memory_space<semaphore_mem>>)
    %dma_wait3A_562 = arith.constant 1 : i32
    %dma_wait3A_563 = arith.constant 0 : i32
    %dma_wait3A_564 = arith.constant 0 : i32
    %dma_wait3A_565 = tpu.memref_slice %arg6[%dma_wait3A_562, %dma_wait3A_563, %dma_wait3A_564] : memref<4x64x128xf32, #tpu.memory_space<vmem>> -> memref<1x64x128xf32, #tpu.memory_space<vmem>>
    %dma_wait3A_566 = tpu.memref_squeeze %dma_wait3A_565 : memref<1x64x128xf32, #tpu.memory_space<vmem>> -> memref<64x128xf32, #tpu.memory_space<vmem>>
    %dma_wait3A_567 = arith.constant 64 : i32
    %dma_wait3A_568 = tpu.memref_slice %arg5[%dma_wait3A_567] : memref<256xi32, #tpu.memory_space<vmem>> -> memref<64xi32, #tpu.memory_space<vmem>>
    %dma_wait3A_569 = arith.constant 0 : i32
    %dma_wait3A_570 = arith.constant 0 : i32
    %dma_wait3A_571 = tpu.memref_slice %arg3[%dma_wait3A_569, %dma_wait3A_570] : memref<1000000x128xf32, #tpu.memory_space<hbm>> -> memref<1000000x128xf32, #tpu.memory_space<hbm>>
    tpu.wait_indirect_dma semaphore(%arg9 : memref<!tpu.dma_semaphore, #tpu.memory_space<semaphore_mem>>) src(%dma_wait3A_571 : memref<1000000x128xf32, #tpu.memory_space<hbm>>) dst(%dma_wait3A_566 : memref<64x128xf32, #tpu.memory_space<vmem>>)
    %scan3A_572 = arith.constant 0 : i32
    %scan3A_573 = arith.constant 0 : i32
    %scan3A_574 = arith.constant 64 : i32
    %scan3A_575 = arith.addi %scan3A_573, %scan3A_574 : i32
    %scan3A_576 = arith.constant 1 : i32
    scf.for %scan3A_722 = %scan3A_573 to %scan3A_575 step %scan3A_576  : i32 {
      %get3A = arith.constant 1 : i32
      %get3A_723 = arith.index_cast %get3A : i32 to index
      %get3A_724 = arith.index_cast %scan3A_722 : i32 to index
      %get3A_725 = arith.constant 0 : index
      %get3A_726 = tpu.vector_load %arg6[%get3A_723, %get3A_724, %get3A_725] {strides = array<i32>} : memref<4x64x128xf32, #tpu.memory_space<vmem>>, vector<1x1x16xf32>,
      %get3A_727 = vector.shape_cast %get3A_726 : vector<1x1x16xf32> to vector<16xf32>
      %get3A_728 = arith.constant 1 : i32
      %get3A_729 = arith.index_cast %get3A_728 : i32 to index
      %get3A_730 = arith.index_cast %scan3A_722 : i32 to index
      %get3A_731 = arith.constant 16 : index
      %get3A_732 = tpu.vector_load %arg6[%get3A_729, %get3A_730, %get3A_731] {strides = array<i32>} : memref<4x64x128xf32, #tpu.memory_space<vmem>>, vector<1x1x16xf32>,
      %get3A_733 = vector.shape_cast %get3A_732 : vector<1x1x16xf32> to vector<16xf32>
      %get3A_734 = arith.constant 1 : i32
      %get3A_735 = arith.index_cast %get3A_734 : i32 to index
      %get3A_736 = arith.index_cast %scan3A_722 : i32 to index
      %get3A_737 = arith.constant 32 : index
      %get3A_738 = tpu.vector_load %arg6[%get3A_735, %get3A_736, %get3A_737] {strides = array<i32>} : memref<4x64x128xf32, #tpu.memory_space<vmem>>, vector<1x1x16xf32>,
      %get3A_739 = vector.shape_cast %get3A_738 : vector<1x1x16xf32> to vector<16xf32>
      %get3A_740 = arith.constant 1 : i32
      %get3A_741 = arith.index_cast %get3A_740 : i32 to index
      %get3A_742 = arith.index_cast %scan3A_722 : i32 to index
      %get3A_743 = arith.constant 48 : index
      %get3A_744 = tpu.vector_load %arg6[%get3A_741, %get3A_742, %get3A_743] {strides = array<i32>} : memref<4x64x128xf32, #tpu.memory_space<vmem>>, vector<1x1x16xf32>,
      %get3A_745 = vector.shape_cast %get3A_744 : vector<1x1x16xf32> to vector<16xf32>
      %get3A_746 = arith.constant 1 : i32
      %get3A_747 = arith.index_cast %get3A_746 : i32 to index
      %get3A_748 = arith.index_cast %scan3A_722 : i32 to index
      %get3A_749 = arith.constant 64 : index
      %get3A_750 = tpu.vector_load %arg6[%get3A_747, %get3A_748, %get3A_749] {strides = array<i32>} : memref<4x64x128xf32, #tpu.memory_space<vmem>>, vector<1x1x16xf32>,
      %get3A_751 = vector.shape_cast %get3A_750 : vector<1x1x16xf32> to vector<16xf32>
      %get3A_752 = arith.constant 1 : i32
      %get3A_753 = arith.index_cast %get3A_752 : i32 to index
      %get3A_754 = arith.index_cast %scan3A_722 : i32 to index
      %get3A_755 = arith.constant 80 : index
      %get3A_756 = tpu.vector_load %arg6[%get3A_753, %get3A_754, %get3A_755] {strides = array<i32>} : memref<4x64x128xf32, #tpu.memory_space<vmem>>, vector<1x1x16xf32>,
      %get3A_757 = vector.shape_cast %get3A_756 : vector<1x1x16xf32> to vector<16xf32>
      %get3A_758 = arith.constant 1 : i32
      %get3A_759 = arith.index_cast %get3A_758 : i32 to index
      %get3A_760 = arith.index_cast %scan3A_722 : i32 to index
      %get3A_761 = arith.constant 96 : index
      %get3A_762 = tpu.vector_load %arg6[%get3A_759, %get3A_760, %get3A_761] {strides = array<i32>} : memref<4x64x128xf32, #tpu.memory_space<vmem>>, vector<1x1x16xf32>,
      %get3A_763 = vector.shape_cast %get3A_762 : vector<1x1x16xf32> to vector<16xf32>
      %get3A_764 = arith.constant 1 : i32
      %get3A_765 = arith.index_cast %get3A_764 : i32 to index
      %get3A_766 = arith.index_cast %scan3A_722 : i32 to index
      %get3A_767 = arith.constant 112 : index
      %get3A_768 = tpu.vector_load %arg6[%get3A_765, %get3A_766, %get3A_767] {strides = array<i32>} : memref<4x64x128xf32, #tpu.memory_space<vmem>>, vector<1x1x16xf32>,
      %get3A_769 = vector.shape_cast %get3A_768 : vector<1x1x16xf32> to vector<16xf32>
      %get3A_770 = arith.index_cast %scan3A_722 : i32 to index
      %get3A_771 = arith.constant 0 : index
      %get3A_772 = tpu.vector_load %arg7[%get3A_770, %get3A_771] {strides = array<i32>} : memref<64x128xf32, #tpu.memory_space<vmem>>, vector<1x16xf32>,
      %get3A_773 = vector.shape_cast %get3A_772 : vector<1x16xf32> to vector<16xf32>
      %get3A_774 = arith.index_cast %scan3A_722 : i32 to index
      %get3A_775 = arith.constant 16 : index
      %get3A_776 = tpu.vector_load %arg7[%get3A_774, %get3A_775] {strides = array<i32>} : memref<64x128xf32, #tpu.memory_space<vmem>>, vector<1x16xf32>,
      %get3A_777 = vector.shape_cast %get3A_776 : vector<1x16xf32> to vector<16xf32>
      %get3A_778 = arith.index_cast %scan3A_722 : i32 to index
      %get3A_779 = arith.constant 32 : index
      %get3A_780 = tpu.vector_load %arg7[%get3A_778, %get3A_779] {strides = array<i32>} : memref<64x128xf32, #tpu.memory_space<vmem>>, vector<1x16xf32>,
      %get3A_781 = vector.shape_cast %get3A_780 : vector<1x16xf32> to vector<16xf32>
      %get3A_782 = arith.index_cast %scan3A_722 : i32 to index
      %get3A_783 = arith.constant 48 : index
      %get3A_784 = tpu.vector_load %arg7[%get3A_782, %get3A_783] {strides = array<i32>} : memref<64x128xf32, #tpu.memory_space<vmem>>, vector<1x16xf32>,
      %get3A_785 = vector.shape_cast %get3A_784 : vector<1x16xf32> to vector<16xf32>
      %get3A_786 = arith.index_cast %scan3A_722 : i32 to index
      %get3A_787 = arith.constant 64 : index
      %get3A_788 = tpu.vector_load %arg7[%get3A_786, %get3A_787] {strides = array<i32>} : memref<64x128xf32, #tpu.memory_space<vmem>>, vector<1x16xf32>,
      %get3A_789 = vector.shape_cast %get3A_788 : vector<1x16xf32> to vector<16xf32>
      %get3A_790 = arith.index_cast %scan3A_722 : i32 to index
      %get3A_791 = arith.constant 80 : index
      %get3A_792 = tpu.vector_load %arg7[%get3A_790, %get3A_791] {strides = array<i32>} : memref<64x128xf32, #tpu.memory_space<vmem>>, vector<1x16xf32>,
      %get3A_793 = vector.shape_cast %get3A_792 : vector<1x16xf32> to vector<16xf32>
      %get3A_794 = arith.index_cast %scan3A_722 : i32 to index
      %get3A_795 = arith.constant 96 : index
      %get3A_796 = tpu.vector_load %arg7[%get3A_794, %get3A_795] {strides = array<i32>} : memref<64x128xf32, #tpu.memory_space<vmem>>, vector<1x16xf32>,
      %get3A_797 = vector.shape_cast %get3A_796 : vector<1x16xf32> to vector<16xf32>
      %get3A_798 = arith.index_cast %scan3A_722 : i32 to index
      %get3A_799 = arith.constant 112 : index
      %get3A_800 = tpu.vector_load %arg7[%get3A_798, %get3A_799] {strides = array<i32>} : memref<64x128xf32, #tpu.memory_space<vmem>>, vector<1x16xf32>,
      %get3A_801 = vector.shape_cast %get3A_800 : vector<1x16xf32> to vector<16xf32>
      %mul3A_802 = arith.mulf %get3A_727, %get3A_773 : vector<16xf32>
      %mul3A_803 = arith.mulf %get3A_751, %get3A_789 : vector<16xf32>
      %sub3A_804 = arith.subf %mul3A_802, %mul3A_803 : vector<16xf32>
      %swap3A_805 = arith.constant 1 : i32
      %swap3A_806 = arith.index_cast %swap3A_805 : i32 to index
      %swap3A_807 = arith.index_cast %scan3A_722 : i32 to index
      %swap3A_808 = arith.constant 0 : index
      %swap3A_809 = tpu.vector_load %arg6[%swap3A_806, %swap3A_807, %swap3A_808] {strides = array<i32>} : memref<4x64x128xf32, #tpu.memory_space<vmem>>, vector<1x1x16xf32>,
      %swap3A_810 = vector.shape_cast %swap3A_809 : vector<1x1x16xf32> to vector<16xf32>
      %swap3A_811 = vector.shape_cast %sub3A_804 : vector<16xf32> to vector<1x1x16xf32>
      tpu.vector_store %arg6[%swap3A_806, %swap3A_807, %swap3A_808], %swap3A_811 {strides = array<i32>} : memref<4x64x128xf32, #tpu.memory_space<vmem>>, vector<1x1x16xf32>,
      %mul3A_812 = arith.mulf %get3A_751, %get3A_773 : vector<16xf32>
      %mul3A_813 = arith.mulf %get3A_727, %get3A_789 : vector<16xf32>
      %add3A_814 = arith.addf %mul3A_812, %mul3A_813 : vector<16xf32>
      %swap3A_815 = arith.constant 1 : i32
      %swap3A_816 = arith.index_cast %swap3A_815 : i32 to index
      %swap3A_817 = arith.index_cast %scan3A_722 : i32 to index
      %swap3A_818 = arith.constant 64 : index
      %swap3A_819 = tpu.vector_load %arg6[%swap3A_816, %swap3A_817, %swap3A_818] {strides = array<i32>} : memref<4x64x128xf32, #tpu.memory_space<vmem>>, vector<1x1x16xf32>,
      %swap3A_820 = vector.shape_cast %swap3A_819 : vector<1x1x16xf32> to vector<16xf32>
      %swap3A_821 = vector.shape_cast %add3A_814 : vector<16xf32> to vector<1x1x16xf32>
      tpu.vector_store %arg6[%swap3A_816, %swap3A_817, %swap3A_818], %swap3A_821 {strides = array<i32>} : memref<4x64x128xf32, #tpu.memory_space<vmem>>, vector<1x1x16xf32>,
      %mul3A_822 = arith.mulf %get3A_733, %get3A_777 : vector<16xf32>
      %mul3A_823 = arith.mulf %get3A_757, %get3A_793 : vector<16xf32>
      %sub3A_824 = arith.subf %mul3A_822, %mul3A_823 : vector<16xf32>
      %swap3A_825 = arith.constant 1 : i32
      %swap3A_826 = arith.index_cast %swap3A_825 : i32 to index
      %swap3A_827 = arith.index_cast %scan3A_722 : i32 to index
      %swap3A_828 = arith.constant 16 : index
      %swap3A_829 = tpu.vector_load %arg6[%swap3A_826, %swap3A_827, %swap3A_828] {strides = array<i32>} : memref<4x64x128xf32, #tpu.memory_space<vmem>>, vector<1x1x16xf32>,
      %swap3A_830 = vector.shape_cast %swap3A_829 : vector<1x1x16xf32> to vector<16xf32>
      %swap3A_831 = vector.shape_cast %sub3A_824 : vector<16xf32> to vector<1x1x16xf32>
      tpu.vector_store %arg6[%swap3A_826, %swap3A_827, %swap3A_828], %swap3A_831 {strides = array<i32>} : memref<4x64x128xf32, #tpu.memory_space<vmem>>, vector<1x1x16xf32>,
      %mul3A_832 = arith.mulf %get3A_757, %get3A_777 : vector<16xf32>
      %mul3A_833 = arith.mulf %get3A_733, %get3A_793 : vector<16xf32>
      %add3A_834 = arith.addf %mul3A_832, %mul3A_833 : vector<16xf32>
      %swap3A_835 = arith.constant 1 : i32
      %swap3A_836 = arith.index_cast %swap3A_835 : i32 to index
      %swap3A_837 = arith.index_cast %scan3A_722 : i32 to index
      %swap3A_838 = arith.constant 80 : index
      %swap3A_839 = tpu.vector_load %arg6[%swap3A_836, %swap3A_837, %swap3A_838] {strides = array<i32>} : memref<4x64x128xf32, #tpu.memory_space<vmem>>, vector<1x1x16xf32>,
      %swap3A_840 = vector.shape_cast %swap3A_839 : vector<1x1x16xf32> to vector<16xf32>
      %swap3A_841 = vector.shape_cast %add3A_834 : vector<16xf32> to vector<1x1x16xf32>
      tpu.vector_store %arg6[%swap3A_836, %swap3A_837, %swap3A_838], %swap3A_841 {strides = array<i32>} : memref<4x64x128xf32, #tpu.memory_space<vmem>>, vector<1x1x16xf32>,
      %mul3A_842 = arith.mulf %get3A_739, %get3A_781 : vector<16xf32>
      %mul3A_843 = arith.mulf %get3A_763, %get3A_797 : vector<16xf32>
      %sub3A_844 = arith.subf %mul3A_842, %mul3A_843 : vector<16xf32>
      %swap3A_845 = arith.constant 1 : i32
      %swap3A_846 = arith.index_cast %swap3A_845 : i32 to index
      %swap3A_847 = arith.index_cast %scan3A_722 : i32 to index
      %swap3A_848 = arith.constant 32 : index
      %swap3A_849 = tpu.vector_load %arg6[%swap3A_846, %swap3A_847, %swap3A_848] {strides = array<i32>} : memref<4x64x128xf32, #tpu.memory_space<vmem>>, vector<1x1x16xf32>,
      %swap3A_850 = vector.shape_cast %swap3A_849 : vector<1x1x16xf32> to vector<16xf32>
      %swap3A_851 = vector.shape_cast %sub3A_844 : vector<16xf32> to vector<1x1x16xf32>
      tpu.vector_store %arg6[%swap3A_846, %swap3A_847, %swap3A_848], %swap3A_851 {strides = array<i32>} : memref<4x64x128xf32, #tpu.memory_space<vmem>>, vector<1x1x16xf32>,
      %mul3A_852 = arith.mulf %get3A_763, %get3A_781 : vector<16xf32>
      %mul3A_853 = arith.mulf %get3A_739, %get3A_797 : vector<16xf32>
      %add3A_854 = arith.addf %mul3A_852, %mul3A_853 : vector<16xf32>
      %swap3A_855 = arith.constant 1 : i32
      %swap3A_856 = arith.index_cast %swap3A_855 : i32 to index
      %swap3A_857 = arith.index_cast %scan3A_722 : i32 to index
      %swap3A_858 = arith.constant 96 : index
      %swap3A_859 = tpu.vector_load %arg6[%swap3A_856, %swap3A_857, %swap3A_858] {strides = array<i32>} : memref<4x64x128xf32, #tpu.memory_space<vmem>>, vector<1x1x16xf32>,
      %swap3A_860 = vector.shape_cast %swap3A_859 : vector<1x1x16xf32> to vector<16xf32>
      %swap3A_861 = vector.shape_cast %add3A_854 : vector<16xf32> to vector<1x1x16xf32>
      tpu.vector_store %arg6[%swap3A_856, %swap3A_857, %swap3A_858], %swap3A_861 {strides = array<i32>} : memref<4x64x128xf32, #tpu.memory_space<vmem>>, vector<1x1x16xf32>,
      %mul3A_862 = arith.mulf %get3A_745, %get3A_785 : vector<16xf32>
      %mul3A_863 = arith.mulf %get3A_769, %get3A_801 : vector<16xf32>
      %sub3A_864 = arith.subf %mul3A_862, %mul3A_863 : vector<16xf32>
      %swap3A_865 = arith.constant 1 : i32
      %swap3A_866 = arith.index_cast %swap3A_865 : i32 to index
      %swap3A_867 = arith.index_cast %scan3A_722 : i32 to index
      %swap3A_868 = arith.constant 48 : index
      %swap3A_869 = tpu.vector_load %arg6[%swap3A_866, %swap3A_867, %swap3A_868] {strides = array<i32>} : memref<4x64x128xf32, #tpu.memory_space<vmem>>, vector<1x1x16xf32>,
      %swap3A_870 = vector.shape_cast %swap3A_869 : vector<1x1x16xf32> to vector<16xf32>
      %swap3A_871 = vector.shape_cast %sub3A_864 : vector<16xf32> to vector<1x1x16xf32>
      tpu.vector_store %arg6[%swap3A_866, %swap3A_867, %swap3A_868], %swap3A_871 {strides = array<i32>} : memref<4x64x128xf32, #tpu.memory_space<vmem>>, vector<1x1x16xf32>,
      %mul3A_872 = arith.mulf %get3A_769, %get3A_785 : vector<16xf32>
      %mul3A_873 = arith.mulf %get3A_745, %get3A_801 : vector<16xf32>
      %add3A_874 = arith.addf %mul3A_872, %mul3A_873 : vector<16xf32>
      %swap3A_875 = arith.constant 1 : i32
      %swap3A_876 = arith.index_cast %swap3A_875 : i32 to index
      %swap3A_877 = arith.index_cast %scan3A_722 : i32 to index
      %swap3A_878 = arith.constant 112 : index
      %swap3A_879 = tpu.vector_load %arg6[%swap3A_876, %swap3A_877, %swap3A_878] {strides = array<i32>} : memref<4x64x128xf32, #tpu.memory_space<vmem>>, vector<1x1x16xf32>,
      %swap3A_880 = vector.shape_cast %swap3A_879 : vector<1x1x16xf32> to vector<16xf32>
      %swap3A_881 = vector.shape_cast %add3A_874 : vector<16xf32> to vector<1x1x16xf32>
      tpu.vector_store %arg6[%swap3A_876, %swap3A_877, %swap3A_878], %swap3A_881 {strides = array<i32>} : memref<4x64x128xf32, #tpu.memory_space<vmem>>, vector<1x1x16xf32>,
    }
    %scan3A_577 = arith.constant 64 : i32
    %dma_start3A_578 = arith.constant 1 : i32
    %dma_start3A_579 = arith.constant 1 : i32
    %dma_start3A_580 = arith.constant 0 : i32
    %dma_start3A_581 = arith.constant 0 : i32
    %dma_start3A_582 = tpu.memref_slice %arg6[%dma_start3A_578, %dma_start3A_580, %dma_start3A_581] : memref<4x64x128xf32, #tpu.memory_space<vmem>> -> memref<1x64x128xf32, #tpu.memory_space<vmem>>
    %dma_start3A_583 = tpu.memref_squeeze %dma_start3A_582 : memref<1x64x128xf32, #tpu.memory_space<vmem>> -> memref<64x128xf32, #tpu.memory_space<vmem>>
    %dma_start3A_584 = arith.constant 0 : i32
    %dma_start3A_585 = tpu.memref_slice %arg4[%dma_start3A_579, %mul3A_2, %dma_start3A_584] : memref<4x2048x128xf32, #tpu.memory_space<hbm>> -> memref<1x64x128xf32, #tpu.memory_space<hbm>>
    %dma_start3A_586 = tpu.memref_squeeze %dma_start3A_585 : memref<1x64x128xf32, #tpu.memory_space<hbm>> -> memref<64x128xf32, #tpu.memory_space<hbm>>
    %dma_start3A_587 = arith.constant 0 : i32
    %dma_start3A_588 = tpu.memref_slice %arg4[%dma_start3A_579, %mul3A_2, %dma_start3A_587] : memref<4x2048x128xf32, #tpu.memory_space<hbm>> -> memref<1x64x128xf32, #tpu.memory_space<hbm>>
    %dma_start3A_589 = tpu.memref_squeeze %dma_start3A_588 : memref<1x64x128xf32, #tpu.memory_space<hbm>> -> memref<64x128xf32, #tpu.memory_space<hbm>>
    %dma_start3A_590 = arith.constant 0 : i32
    %dma_start3A_591 = arith.constant 0 : i32
    %dma_start3A_592 = tpu.memref_slice %arg6[%dma_start3A_578, %dma_start3A_590, %dma_start3A_591] : memref<4x64x128xf32, #tpu.memory_space<vmem>> -> memref<1x64x128xf32, #tpu.memory_space<vmem>>
    %dma_start3A_593 = tpu.memref_squeeze %dma_start3A_592 : memref<1x64x128xf32, #tpu.memory_space<vmem>> -> memref<64x128xf32, #tpu.memory_space<vmem>>
    tpu.enqueue_dma source(%dma_start3A_593 : memref<64x128xf32, #tpu.memory_space<vmem>>) target(%dma_start3A_589 : memref<64x128xf32, #tpu.memory_space<hbm>>) target_semaphore(%arg10 : memref<!tpu.dma_semaphore, #tpu.memory_space<semaphore_mem>>)
    %dma_wait3A_594 = arith.constant 2 : i32
    %dma_wait3A_595 = arith.constant 0 : i32
    %dma_wait3A_596 = arith.constant 0 : i32
    %dma_wait3A_597 = tpu.memref_slice %arg6[%dma_wait3A_594, %dma_wait3A_595, %dma_wait3A_596] : memref<4x64x128xf32, #tpu.memory_space<vmem>> -> memref<1x64x128xf32, #tpu.memory_space<vmem>>
    %dma_wait3A_598 = tpu.memref_squeeze %dma_wait3A_597 : memref<1x64x128xf32, #tpu.memory_space<vmem>> -> memref<64x128xf32, #tpu.memory_space<vmem>>
    %dma_wait3A_599 = arith.constant 128 : i32
    %dma_wait3A_600 = tpu.memref_slice %arg5[%dma_wait3A_599] : memref<256xi32, #tpu.memory_space<vmem>> -> memref<64xi32, #tpu.memory_space<vmem>>
    %dma_wait3A_601 = arith.constant 0 : i32
    %dma_wait3A_602 = arith.constant 0 : i32
    %dma_wait3A_603 = tpu.memref_slice %arg3[%dma_wait3A_601, %dma_wait3A_602] : memref<1000000x128xf32, #tpu.memory_space<hbm>> -> memref<1000000x128xf32, #tpu.memory_space<hbm>>
    tpu.wait_indirect_dma semaphore(%arg9 : memref<!tpu.dma_semaphore, #tpu.memory_space<semaphore_mem>>) src(%dma_wait3A_603 : memref<1000000x128xf32, #tpu.memory_space<hbm>>) dst(%dma_wait3A_598 : memref<64x128xf32, #tpu.memory_space<vmem>>)
    %scan3A_604 = arith.constant 0 : i32
    %scan3A_605 = arith.constant 0 : i32
    %scan3A_606 = arith.constant 64 : i32
    %scan3A_607 = arith.addi %scan3A_605, %scan3A_606 : i32
    %scan3A_608 = arith.constant 1 : i32
    scf.for %scan3A_722 = %scan3A_605 to %scan3A_607 step %scan3A_608  : i32 {
      %get3A = arith.constant 2 : i32
      %get3A_723 = arith.index_cast %get3A : i32 to index
      %get3A_724 = arith.index_cast %scan3A_722 : i32 to index
      %get3A_725 = arith.constant 0 : index
      %get3A_726 = tpu.vector_load %arg6[%get3A_723, %get3A_724, %get3A_725] {strides = array<i32>} : memref<4x64x128xf32, #tpu.memory_space<vmem>>, vector<1x1x16xf32>,
      %get3A_727 = vector.shape_cast %get3A_726 : vector<1x1x16xf32> to vector<16xf32>
      %get3A_728 = arith.constant 2 : i32
      %get3A_729 = arith.index_cast %get3A_728 : i32 to index
      %get3A_730 = arith.index_cast %scan3A_722 : i32 to index
      %get3A_731 = arith.constant 16 : index
      %get3A_732 = tpu.vector_load %arg6[%get3A_729, %get3A_730, %get3A_731] {strides = array<i32>} : memref<4x64x128xf32, #tpu.memory_space<vmem>>, vector<1x1x16xf32>,
      %get3A_733 = vector.shape_cast %get3A_732 : vector<1x1x16xf32> to vector<16xf32>
      %get3A_734 = arith.constant 2 : i32
      %get3A_735 = arith.index_cast %get3A_734 : i32 to index
      %get3A_736 = arith.index_cast %scan3A_722 : i32 to index
      %get3A_737 = arith.constant 32 : index
      %get3A_738 = tpu.vector_load %arg6[%get3A_735, %get3A_736, %get3A_737] {strides = array<i32>} : memref<4x64x128xf32, #tpu.memory_space<vmem>>, vector<1x1x16xf32>,
      %get3A_739 = vector.shape_cast %get3A_738 : vector<1x1x16xf32> to vector<16xf32>
      %get3A_740 = arith.constant 2 : i32
      %get3A_741 = arith.index_cast %get3A_740 : i32 to index
      %get3A_742 = arith.index_cast %scan3A_722 : i32 to index
      %get3A_743 = arith.constant 48 : index
      %get3A_744 = tpu.vector_load %arg6[%get3A_741, %get3A_742, %get3A_743] {strides = array<i32>} : memref<4x64x128xf32, #tpu.memory_space<vmem>>, vector<1x1x16xf32>,
      %get3A_745 = vector.shape_cast %get3A_744 : vector<1x1x16xf32> to vector<16xf32>
      %get3A_746 = arith.constant 2 : i32
      %get3A_747 = arith.index_cast %get3A_746 : i32 to index
      %get3A_748 = arith.index_cast %scan3A_722 : i32 to index
      %get3A_749 = arith.constant 64 : index
      %get3A_750 = tpu.vector_load %arg6[%get3A_747, %get3A_748, %get3A_749] {strides = array<i32>} : memref<4x64x128xf32, #tpu.memory_space<vmem>>, vector<1x1x16xf32>,
      %get3A_751 = vector.shape_cast %get3A_750 : vector<1x1x16xf32> to vector<16xf32>
      %get3A_752 = arith.constant 2 : i32
      %get3A_753 = arith.index_cast %get3A_752 : i32 to index
      %get3A_754 = arith.index_cast %scan3A_722 : i32 to index
      %get3A_755 = arith.constant 80 : index
      %get3A_756 = tpu.vector_load %arg6[%get3A_753, %get3A_754, %get3A_755] {strides = array<i32>} : memref<4x64x128xf32, #tpu.memory_space<vmem>>, vector<1x1x16xf32>,
      %get3A_757 = vector.shape_cast %get3A_756 : vector<1x1x16xf32> to vector<16xf32>
      %get3A_758 = arith.constant 2 : i32
      %get3A_759 = arith.index_cast %get3A_758 : i32 to index
      %get3A_760 = arith.index_cast %scan3A_722 : i32 to index
      %get3A_761 = arith.constant 96 : index
      %get3A_762 = tpu.vector_load %arg6[%get3A_759, %get3A_760, %get3A_761] {strides = array<i32>} : memref<4x64x128xf32, #tpu.memory_space<vmem>>, vector<1x1x16xf32>,
      %get3A_763 = vector.shape_cast %get3A_762 : vector<1x1x16xf32> to vector<16xf32>
      %get3A_764 = arith.constant 2 : i32
      %get3A_765 = arith.index_cast %get3A_764 : i32 to index
      %get3A_766 = arith.index_cast %scan3A_722 : i32 to index
      %get3A_767 = arith.constant 112 : index
      %get3A_768 = tpu.vector_load %arg6[%get3A_765, %get3A_766, %get3A_767] {strides = array<i32>} : memref<4x64x128xf32, #tpu.memory_space<vmem>>, vector<1x1x16xf32>,
      %get3A_769 = vector.shape_cast %get3A_768 : vector<1x1x16xf32> to vector<16xf32>
      %get3A_770 = arith.index_cast %scan3A_722 : i32 to index
      %get3A_771 = arith.constant 0 : index
      %get3A_772 = tpu.vector_load %arg7[%get3A_770, %get3A_771] {strides = array<i32>} : memref<64x128xf32, #tpu.memory_space<vmem>>, vector<1x16xf32>,
      %get3A_773 = vector.shape_cast %get3A_772 : vector<1x16xf32> to vector<16xf32>
      %get3A_774 = arith.index_cast %scan3A_722 : i32 to index
      %get3A_775 = arith.constant 16 : index
      %get3A_776 = tpu.vector_load %arg7[%get3A_774, %get3A_775] {strides = array<i32>} : memref<64x128xf32, #tpu.memory_space<vmem>>, vector<1x16xf32>,
      %get3A_777 = vector.shape_cast %get3A_776 : vector<1x16xf32> to vector<16xf32>
      %get3A_778 = arith.index_cast %scan3A_722 : i32 to index
      %get3A_779 = arith.constant 32 : index
      %get3A_780 = tpu.vector_load %arg7[%get3A_778, %get3A_779] {strides = array<i32>} : memref<64x128xf32, #tpu.memory_space<vmem>>, vector<1x16xf32>,
      %get3A_781 = vector.shape_cast %get3A_780 : vector<1x16xf32> to vector<16xf32>
      %get3A_782 = arith.index_cast %scan3A_722 : i32 to index
      %get3A_783 = arith.constant 48 : index
      %get3A_784 = tpu.vector_load %arg7[%get3A_782, %get3A_783] {strides = array<i32>} : memref<64x128xf32, #tpu.memory_space<vmem>>, vector<1x16xf32>,
      %get3A_785 = vector.shape_cast %get3A_784 : vector<1x16xf32> to vector<16xf32>
      %get3A_786 = arith.index_cast %scan3A_722 : i32 to index
      %get3A_787 = arith.constant 64 : index
      %get3A_788 = tpu.vector_load %arg7[%get3A_786, %get3A_787] {strides = array<i32>} : memref<64x128xf32, #tpu.memory_space<vmem>>, vector<1x16xf32>,
      %get3A_789 = vector.shape_cast %get3A_788 : vector<1x16xf32> to vector<16xf32>
      %get3A_790 = arith.index_cast %scan3A_722 : i32 to index
      %get3A_791 = arith.constant 80 : index
      %get3A_792 = tpu.vector_load %arg7[%get3A_790, %get3A_791] {strides = array<i32>} : memref<64x128xf32, #tpu.memory_space<vmem>>, vector<1x16xf32>,
      %get3A_793 = vector.shape_cast %get3A_792 : vector<1x16xf32> to vector<16xf32>
      %get3A_794 = arith.index_cast %scan3A_722 : i32 to index
      %get3A_795 = arith.constant 96 : index
      %get3A_796 = tpu.vector_load %arg7[%get3A_794, %get3A_795] {strides = array<i32>} : memref<64x128xf32, #tpu.memory_space<vmem>>, vector<1x16xf32>,
      %get3A_797 = vector.shape_cast %get3A_796 : vector<1x16xf32> to vector<16xf32>
      %get3A_798 = arith.index_cast %scan3A_722 : i32 to index
      %get3A_799 = arith.constant 112 : index
      %get3A_800 = tpu.vector_load %arg7[%get3A_798, %get3A_799] {strides = array<i32>} : memref<64x128xf32, #tpu.memory_space<vmem>>, vector<1x16xf32>,
      %get3A_801 = vector.shape_cast %get3A_800 : vector<1x16xf32> to vector<16xf32>
      %mul3A_802 = arith.mulf %get3A_727, %get3A_773 : vector<16xf32>
      %mul3A_803 = arith.mulf %get3A_751, %get3A_789 : vector<16xf32>
      %sub3A_804 = arith.subf %mul3A_802, %mul3A_803 : vector<16xf32>
      %swap3A_805 = arith.constant 2 : i32
      %swap3A_806 = arith.index_cast %swap3A_805 : i32 to index
      %swap3A_807 = arith.index_cast %scan3A_722 : i32 to index
      %swap3A_808 = arith.constant 0 : index
      %swap3A_809 = tpu.vector_load %arg6[%swap3A_806, %swap3A_807, %swap3A_808] {strides = array<i32>} : memref<4x64x128xf32, #tpu.memory_space<vmem>>, vector<1x1x16xf32>,
      %swap3A_810 = vector.shape_cast %swap3A_809 : vector<1x1x16xf32> to vector<16xf32>
      %swap3A_811 = vector.shape_cast %sub3A_804 : vector<16xf32> to vector<1x1x16xf32>
      tpu.vector_store %arg6[%swap3A_806, %swap3A_807, %swap3A_808], %swap3A_811 {strides = array<i32>} : memref<4x64x128xf32, #tpu.memory_space<vmem>>, vector<1x1x16xf32>,
      %mul3A_812 = arith.mulf %get3A_751, %get3A_773 : vector<16xf32>
      %mul3A_813 = arith.mulf %get3A_727, %get3A_789 : vector<16xf32>
      %add3A_814 = arith.addf %mul3A_812, %mul3A_813 : vector<16xf32>
      %swap3A_815 = arith.constant 2 : i32
      %swap3A_816 = arith.index_cast %swap3A_815 : i32 to index
      %swap3A_817 = arith.index_cast %scan3A_722 : i32 to index
      %swap3A_818 = arith.constant 64 : index
      %swap3A_819 = tpu.vector_load %arg6[%swap3A_816, %swap3A_817, %swap3A_818] {strides = array<i32>} : memref<4x64x128xf32, #tpu.memory_space<vmem>>, vector<1x1x16xf32>,
      %swap3A_820 = vector.shape_cast %swap3A_819 : vector<1x1x16xf32> to vector<16xf32>
      %swap3A_821 = vector.shape_cast %add3A_814 : vector<16xf32> to vector<1x1x16xf32>
      tpu.vector_store %arg6[%swap3A_816, %swap3A_817, %swap3A_818], %swap3A_821 {strides = array<i32>} : memref<4x64x128xf32, #tpu.memory_space<vmem>>, vector<1x1x16xf32>,
      %mul3A_822 = arith.mulf %get3A_733, %get3A_777 : vector<16xf32>
      %mul3A_823 = arith.mulf %get3A_757, %get3A_793 : vector<16xf32>
      %sub3A_824 = arith.subf %mul3A_822, %mul3A_823 : vector<16xf32>
      %swap3A_825 = arith.constant 2 : i32
      %swap3A_826 = arith.index_cast %swap3A_825 : i32 to index
      %swap3A_827 = arith.index_cast %scan3A_722 : i32 to index
      %swap3A_828 = arith.constant 16 : index
      %swap3A_829 = tpu.vector_load %arg6[%swap3A_826, %swap3A_827, %swap3A_828] {strides = array<i32>} : memref<4x64x128xf32, #tpu.memory_space<vmem>>, vector<1x1x16xf32>,
      %swap3A_830 = vector.shape_cast %swap3A_829 : vector<1x1x16xf32> to vector<16xf32>
      %swap3A_831 = vector.shape_cast %sub3A_824 : vector<16xf32> to vector<1x1x16xf32>
      tpu.vector_store %arg6[%swap3A_826, %swap3A_827, %swap3A_828], %swap3A_831 {strides = array<i32>} : memref<4x64x128xf32, #tpu.memory_space<vmem>>, vector<1x1x16xf32>,
      %mul3A_832 = arith.mulf %get3A_757, %get3A_777 : vector<16xf32>
      %mul3A_833 = arith.mulf %get3A_733, %get3A_793 : vector<16xf32>
      %add3A_834 = arith.addf %mul3A_832, %mul3A_833 : vector<16xf32>
      %swap3A_835 = arith.constant 2 : i32
      %swap3A_836 = arith.index_cast %swap3A_835 : i32 to index
      %swap3A_837 = arith.index_cast %scan3A_722 : i32 to index
      %swap3A_838 = arith.constant 80 : index
      %swap3A_839 = tpu.vector_load %arg6[%swap3A_836, %swap3A_837, %swap3A_838] {strides = array<i32>} : memref<4x64x128xf32, #tpu.memory_space<vmem>>, vector<1x1x16xf32>,
      %swap3A_840 = vector.shape_cast %swap3A_839 : vector<1x1x16xf32> to vector<16xf32>
      %swap3A_841 = vector.shape_cast %add3A_834 : vector<16xf32> to vector<1x1x16xf32>
      tpu.vector_store %arg6[%swap3A_836, %swap3A_837, %swap3A_838], %swap3A_841 {strides = array<i32>} : memref<4x64x128xf32, #tpu.memory_space<vmem>>, vector<1x1x16xf32>,
      %mul3A_842 = arith.mulf %get3A_739, %get3A_781 : vector<16xf32>
      %mul3A_843 = arith.mulf %get3A_763, %get3A_797 : vector<16xf32>
      %sub3A_844 = arith.subf %mul3A_842, %mul3A_843 : vector<16xf32>
      %swap3A_845 = arith.constant 2 : i32
      %swap3A_846 = arith.index_cast %swap3A_845 : i32 to index
      %swap3A_847 = arith.index_cast %scan3A_722 : i32 to index
      %swap3A_848 = arith.constant 32 : index
      %swap3A_849 = tpu.vector_load %arg6[%swap3A_846, %swap3A_847, %swap3A_848] {strides = array<i32>} : memref<4x64x128xf32, #tpu.memory_space<vmem>>, vector<1x1x16xf32>,
      %swap3A_850 = vector.shape_cast %swap3A_849 : vector<1x1x16xf32> to vector<16xf32>
      %swap3A_851 = vector.shape_cast %sub3A_844 : vector<16xf32> to vector<1x1x16xf32>
      tpu.vector_store %arg6[%swap3A_846, %swap3A_847, %swap3A_848], %swap3A_851 {strides = array<i32>} : memref<4x64x128xf32, #tpu.memory_space<vmem>>, vector<1x1x16xf32>,
      %mul3A_852 = arith.mulf %get3A_763, %get3A_781 : vector<16xf32>
      %mul3A_853 = arith.mulf %get3A_739, %get3A_797 : vector<16xf32>
      %add3A_854 = arith.addf %mul3A_852, %mul3A_853 : vector<16xf32>
      %swap3A_855 = arith.constant 2 : i32
      %swap3A_856 = arith.index_cast %swap3A_855 : i32 to index
      %swap3A_857 = arith.index_cast %scan3A_722 : i32 to index
      %swap3A_858 = arith.constant 96 : index
      %swap3A_859 = tpu.vector_load %arg6[%swap3A_856, %swap3A_857, %swap3A_858] {strides = array<i32>} : memref<4x64x128xf32, #tpu.memory_space<vmem>>, vector<1x1x16xf32>,
      %swap3A_860 = vector.shape_cast %swap3A_859 : vector<1x1x16xf32> to vector<16xf32>
      %swap3A_861 = vector.shape_cast %add3A_854 : vector<16xf32> to vector<1x1x16xf32>
      tpu.vector_store %arg6[%swap3A_856, %swap3A_857, %swap3A_858], %swap3A_861 {strides = array<i32>} : memref<4x64x128xf32, #tpu.memory_space<vmem>>, vector<1x1x16xf32>,
      %mul3A_862 = arith.mulf %get3A_745, %get3A_785 : vector<16xf32>
      %mul3A_863 = arith.mulf %get3A_769, %get3A_801 : vector<16xf32>
      %sub3A_864 = arith.subf %mul3A_862, %mul3A_863 : vector<16xf32>
      %swap3A_865 = arith.constant 2 : i32
      %swap3A_866 = arith.index_cast %swap3A_865 : i32 to index
      %swap3A_867 = arith.index_cast %scan3A_722 : i32 to index
      %swap3A_868 = arith.constant 48 : index
      %swap3A_869 = tpu.vector_load %arg6[%swap3A_866, %swap3A_867, %swap3A_868] {strides = array<i32>} : memref<4x64x128xf32, #tpu.memory_space<vmem>>, vector<1x1x16xf32>,
      %swap3A_870 = vector.shape_cast %swap3A_869 : vector<1x1x16xf32> to vector<16xf32>
      %swap3A_871 = vector.shape_cast %sub3A_864 : vector<16xf32> to vector<1x1x16xf32>
      tpu.vector_store %arg6[%swap3A_866, %swap3A_867, %swap3A_868], %swap3A_871 {strides = array<i32>} : memref<4x64x128xf32, #tpu.memory_space<vmem>>, vector<1x1x16xf32>,
      %mul3A_872 = arith.mulf %get3A_769, %get3A_785 : vector<16xf32>
      %mul3A_873 = arith.mulf %get3A_745, %get3A_801 : vector<16xf32>
      %add3A_874 = arith.addf %mul3A_872, %mul3A_873 : vector<16xf32>
      %swap3A_875 = arith.constant 2 : i32
      %swap3A_876 = arith.index_cast %swap3A_875 : i32 to index
      %swap3A_877 = arith.index_cast %scan3A_722 : i32 to index
      %swap3A_878 = arith.constant 112 : index
      %swap3A_879 = tpu.vector_load %arg6[%swap3A_876, %swap3A_877, %swap3A_878] {strides = array<i32>} : memref<4x64x128xf32, #tpu.memory_space<vmem>>, vector<1x1x16xf32>,
      %swap3A_880 = vector.shape_cast %swap3A_879 : vector<1x1x16xf32> to vector<16xf32>
      %swap3A_881 = vector.shape_cast %add3A_874 : vector<16xf32> to vector<1x1x16xf32>
      tpu.vector_store %arg6[%swap3A_876, %swap3A_877, %swap3A_878], %swap3A_881 {strides = array<i32>} : memref<4x64x128xf32, #tpu.memory_space<vmem>>, vector<1x1x16xf32>,
    }
    %scan3A_609 = arith.constant 64 : i32
    %dma_start3A_610 = arith.constant 2 : i32
    %dma_start3A_611 = arith.constant 2 : i32
    %dma_start3A_612 = arith.constant 0 : i32
    %dma_start3A_613 = arith.constant 0 : i32
    %dma_start3A_614 = tpu.memref_slice %arg6[%dma_start3A_610, %dma_start3A_612, %dma_start3A_613] : memref<4x64x128xf32, #tpu.memory_space<vmem>> -> memref<1x64x128xf32, #tpu.memory_space<vmem>>
    %dma_start3A_615 = tpu.memref_squeeze %dma_start3A_614 : memref<1x64x128xf32, #tpu.memory_space<vmem>> -> memref<64x128xf32, #tpu.memory_space<vmem>>
    %dma_start3A_616 = arith.constant 0 : i32
    %dma_start3A_617 = tpu.memref_slice %arg4[%dma_start3A_611, %mul3A_2, %dma_start3A_616] : memref<4x2048x128xf32, #tpu.memory_space<hbm>> -> memref<1x64x128xf32, #tpu.memory_space<hbm>>
    %dma_start3A_618 = tpu.memref_squeeze %dma_start3A_617 : memref<1x64x128xf32, #tpu.memory_space<hbm>> -> memref<64x128xf32, #tpu.memory_space<hbm>>
    %dma_start3A_619 = arith.constant 0 : i32
    %dma_start3A_620 = tpu.memref_slice %arg4[%dma_start3A_611, %mul3A_2, %dma_start3A_619] : memref<4x2048x128xf32, #tpu.memory_space<hbm>> -> memref<1x64x128xf32, #tpu.memory_space<hbm>>
    %dma_start3A_621 = tpu.memref_squeeze %dma_start3A_620 : memref<1x64x128xf32, #tpu.memory_space<hbm>> -> memref<64x128xf32, #tpu.memory_space<hbm>>
    %dma_start3A_622 = arith.constant 0 : i32
    %dma_start3A_623 = arith.constant 0 : i32
    %dma_start3A_624 = tpu.memref_slice %arg6[%dma_start3A_610, %dma_start3A_622, %dma_start3A_623] : memref<4x64x128xf32, #tpu.memory_space<vmem>> -> memref<1x64x128xf32, #tpu.memory_space<vmem>>
    %dma_start3A_625 = tpu.memref_squeeze %dma_start3A_624 : memref<1x64x128xf32, #tpu.memory_space<vmem>> -> memref<64x128xf32, #tpu.memory_space<vmem>>
    tpu.enqueue_dma source(%dma_start3A_625 : memref<64x128xf32, #tpu.memory_space<vmem>>) target(%dma_start3A_621 : memref<64x128xf32, #tpu.memory_space<hbm>>) target_semaphore(%arg10 : memref<!tpu.dma_semaphore, #tpu.memory_space<semaphore_mem>>)
    %dma_wait3A_626 = arith.constant 3 : i32
    %dma_wait3A_627 = arith.constant 0 : i32
    %dma_wait3A_628 = arith.constant 0 : i32
    %dma_wait3A_629 = tpu.memref_slice %arg6[%dma_wait3A_626, %dma_wait3A_627, %dma_wait3A_628] : memref<4x64x128xf32, #tpu.memory_space<vmem>> -> memref<1x64x128xf32, #tpu.memory_space<vmem>>
    %dma_wait3A_630 = tpu.memref_squeeze %dma_wait3A_629 : memref<1x64x128xf32, #tpu.memory_space<vmem>> -> memref<64x128xf32, #tpu.memory_space<vmem>>
    %dma_wait3A_631 = arith.constant 192 : i32
    %dma_wait3A_632 = tpu.memref_slice %arg5[%dma_wait3A_631] : memref<256xi32, #tpu.memory_space<vmem>> -> memref<64xi32, #tpu.memory_space<vmem>>
    %dma_wait3A_633 = arith.constant 0 : i32
    %dma_wait3A_634 = arith.constant 0 : i32
    %dma_wait3A_635 = tpu.memref_slice %arg3[%dma_wait3A_633, %dma_wait3A_634] : memref<1000000x128xf32, #tpu.memory_space<hbm>> -> memref<1000000x128xf32, #tpu.memory_space<hbm>>
    tpu.wait_indirect_dma semaphore(%arg9 : memref<!tpu.dma_semaphore, #tpu.memory_space<semaphore_mem>>) src(%dma_wait3A_635 : memref<1000000x128xf32, #tpu.memory_space<hbm>>) dst(%dma_wait3A_630 : memref<64x128xf32, #tpu.memory_space<vmem>>)
    %scan3A_636 = arith.constant 0 : i32
    %scan3A_637 = arith.constant 0 : i32
    %scan3A_638 = arith.constant 64 : i32
    %scan3A_639 = arith.addi %scan3A_637, %scan3A_638 : i32
    %scan3A_640 = arith.constant 1 : i32
    scf.for %scan3A_722 = %scan3A_637 to %scan3A_639 step %scan3A_640  : i32 {
      %get3A = arith.constant 3 : i32
      %get3A_723 = arith.index_cast %get3A : i32 to index
      %get3A_724 = arith.index_cast %scan3A_722 : i32 to index
      %get3A_725 = arith.constant 0 : index
      %get3A_726 = tpu.vector_load %arg6[%get3A_723, %get3A_724, %get3A_725] {strides = array<i32>} : memref<4x64x128xf32, #tpu.memory_space<vmem>>, vector<1x1x16xf32>,
      %get3A_727 = vector.shape_cast %get3A_726 : vector<1x1x16xf32> to vector<16xf32>
      %get3A_728 = arith.constant 3 : i32
      %get3A_729 = arith.index_cast %get3A_728 : i32 to index
      %get3A_730 = arith.index_cast %scan3A_722 : i32 to index
      %get3A_731 = arith.constant 16 : index
      %get3A_732 = tpu.vector_load %arg6[%get3A_729, %get3A_730, %get3A_731] {strides = array<i32>} : memref<4x64x128xf32, #tpu.memory_space<vmem>>, vector<1x1x16xf32>,
      %get3A_733 = vector.shape_cast %get3A_732 : vector<1x1x16xf32> to vector<16xf32>
      %get3A_734 = arith.constant 3 : i32
      %get3A_735 = arith.index_cast %get3A_734 : i32 to index
      %get3A_736 = arith.index_cast %scan3A_722 : i32 to index
      %get3A_737 = arith.constant 32 : index
      %get3A_738 = tpu.vector_load %arg6[%get3A_735, %get3A_736, %get3A_737] {strides = array<i32>} : memref<4x64x128xf32, #tpu.memory_space<vmem>>, vector<1x1x16xf32>,
      %get3A_739 = vector.shape_cast %get3A_738 : vector<1x1x16xf32> to vector<16xf32>
      %get3A_740 = arith.constant 3 : i32
      %get3A_741 = arith.index_cast %get3A_740 : i32 to index
      %get3A_742 = arith.index_cast %scan3A_722 : i32 to index
      %get3A_743 = arith.constant 48 : index
      %get3A_744 = tpu.vector_load %arg6[%get3A_741, %get3A_742, %get3A_743] {strides = array<i32>} : memref<4x64x128xf32, #tpu.memory_space<vmem>>, vector<1x1x16xf32>,
      %get3A_745 = vector.shape_cast %get3A_744 : vector<1x1x16xf32> to vector<16xf32>
      %get3A_746 = arith.constant 3 : i32
      %get3A_747 = arith.index_cast %get3A_746 : i32 to index
      %get3A_748 = arith.index_cast %scan3A_722 : i32 to index
      %get3A_749 = arith.constant 64 : index
      %get3A_750 = tpu.vector_load %arg6[%get3A_747, %get3A_748, %get3A_749] {strides = array<i32>} : memref<4x64x128xf32, #tpu.memory_space<vmem>>, vector<1x1x16xf32>,
      %get3A_751 = vector.shape_cast %get3A_750 : vector<1x1x16xf32> to vector<16xf32>
      %get3A_752 = arith.constant 3 : i32
      %get3A_753 = arith.index_cast %get3A_752 : i32 to index
      %get3A_754 = arith.index_cast %scan3A_722 : i32 to index
      %get3A_755 = arith.constant 80 : index
      %get3A_756 = tpu.vector_load %arg6[%get3A_753, %get3A_754, %get3A_755] {strides = array<i32>} : memref<4x64x128xf32, #tpu.memory_space<vmem>>, vector<1x1x16xf32>,
      %get3A_757 = vector.shape_cast %get3A_756 : vector<1x1x16xf32> to vector<16xf32>
      %get3A_758 = arith.constant 3 : i32
      %get3A_759 = arith.index_cast %get3A_758 : i32 to index
      %get3A_760 = arith.index_cast %scan3A_722 : i32 to index
      %get3A_761 = arith.constant 96 : index
      %get3A_762 = tpu.vector_load %arg6[%get3A_759, %get3A_760, %get3A_761] {strides = array<i32>} : memref<4x64x128xf32, #tpu.memory_space<vmem>>, vector<1x1x16xf32>,
      %get3A_763 = vector.shape_cast %get3A_762 : vector<1x1x16xf32> to vector<16xf32>
      %get3A_764 = arith.constant 3 : i32
      %get3A_765 = arith.index_cast %get3A_764 : i32 to index
      %get3A_766 = arith.index_cast %scan3A_722 : i32 to index
      %get3A_767 = arith.constant 112 : index
      %get3A_768 = tpu.vector_load %arg6[%get3A_765, %get3A_766, %get3A_767] {strides = array<i32>} : memref<4x64x128xf32, #tpu.memory_space<vmem>>, vector<1x1x16xf32>,
      %get3A_769 = vector.shape_cast %get3A_768 : vector<1x1x16xf32> to vector<16xf32>
      %get3A_770 = arith.index_cast %scan3A_722 : i32 to index
      %get3A_771 = arith.constant 0 : index
      %get3A_772 = tpu.vector_load %arg7[%get3A_770, %get3A_771] {strides = array<i32>} : memref<64x128xf32, #tpu.memory_space<vmem>>, vector<1x16xf32>,
      %get3A_773 = vector.shape_cast %get3A_772 : vector<1x16xf32> to vector<16xf32>
      %get3A_774 = arith.index_cast %scan3A_722 : i32 to index
      %get3A_775 = arith.constant 16 : index
      %get3A_776 = tpu.vector_load %arg7[%get3A_774, %get3A_775] {strides = array<i32>} : memref<64x128xf32, #tpu.memory_space<vmem>>, vector<1x16xf32>,
      %get3A_777 = vector.shape_cast %get3A_776 : vector<1x16xf32> to vector<16xf32>
      %get3A_778 = arith.index_cast %scan3A_722 : i32 to index
      %get3A_779 = arith.constant 32 : index
      %get3A_780 = tpu.vector_load %arg7[%get3A_778, %get3A_779] {strides = array<i32>} : memref<64x128xf32, #tpu.memory_space<vmem>>, vector<1x16xf32>,
      %get3A_781 = vector.shape_cast %get3A_780 : vector<1x16xf32> to vector<16xf32>
      %get3A_782 = arith.index_cast %scan3A_722 : i32 to index
      %get3A_783 = arith.constant 48 : index
      %get3A_784 = tpu.vector_load %arg7[%get3A_782, %get3A_783] {strides = array<i32>} : memref<64x128xf32, #tpu.memory_space<vmem>>, vector<1x16xf32>,
      %get3A_785 = vector.shape_cast %get3A_784 : vector<1x16xf32> to vector<16xf32>
      %get3A_786 = arith.index_cast %scan3A_722 : i32 to index
      %get3A_787 = arith.constant 64 : index
      %get3A_788 = tpu.vector_load %arg7[%get3A_786, %get3A_787] {strides = array<i32>} : memref<64x128xf32, #tpu.memory_space<vmem>>, vector<1x16xf32>,
      %get3A_789 = vector.shape_cast %get3A_788 : vector<1x16xf32> to vector<16xf32>
      %get3A_790 = arith.index_cast %scan3A_722 : i32 to index
      %get3A_791 = arith.constant 80 : index
      %get3A_792 = tpu.vector_load %arg7[%get3A_790, %get3A_791] {strides = array<i32>} : memref<64x128xf32, #tpu.memory_space<vmem>>, vector<1x16xf32>,
      %get3A_793 = vector.shape_cast %get3A_792 : vector<1x16xf32> to vector<16xf32>
      %get3A_794 = arith.index_cast %scan3A_722 : i32 to index
      %get3A_795 = arith.constant 96 : index
      %get3A_796 = tpu.vector_load %arg7[%get3A_794, %get3A_795] {strides = array<i32>} : memref<64x128xf32, #tpu.memory_space<vmem>>, vector<1x16xf32>,
      %get3A_797 = vector.shape_cast %get3A_796 : vector<1x16xf32> to vector<16xf32>
      %get3A_798 = arith.index_cast %scan3A_722 : i32 to index
      %get3A_799 = arith.constant 112 : index
      %get3A_800 = tpu.vector_load %arg7[%get3A_798, %get3A_799] {strides = array<i32>} : memref<64x128xf32, #tpu.memory_space<vmem>>, vector<1x16xf32>,
      %get3A_801 = vector.shape_cast %get3A_800 : vector<1x16xf32> to vector<16xf32>
      %mul3A_802 = arith.mulf %get3A_727, %get3A_773 : vector<16xf32>
      %mul3A_803 = arith.mulf %get3A_751, %get3A_789 : vector<16xf32>
      %sub3A_804 = arith.subf %mul3A_802, %mul3A_803 : vector<16xf32>
      %swap3A_805 = arith.constant 3 : i32
      %swap3A_806 = arith.index_cast %swap3A_805 : i32 to index
      %swap3A_807 = arith.index_cast %scan3A_722 : i32 to index
      %swap3A_808 = arith.constant 0 : index
      %swap3A_809 = tpu.vector_load %arg6[%swap3A_806, %swap3A_807, %swap3A_808] {strides = array<i32>} : memref<4x64x128xf32, #tpu.memory_space<vmem>>, vector<1x1x16xf32>,
      %swap3A_810 = vector.shape_cast %swap3A_809 : vector<1x1x16xf32> to vector<16xf32>
      %swap3A_811 = vector.shape_cast %sub3A_804 : vector<16xf32> to vector<1x1x16xf32>
      tpu.vector_store %arg6[%swap3A_806, %swap3A_807, %swap3A_808], %swap3A_811 {strides = array<i32>} : memref<4x64x128xf32, #tpu.memory_space<vmem>>, vector<1x1x16xf32>,
      %mul3A_812 = arith.mulf %get3A_751, %get3A_773 : vector<16xf32>
      %mul3A_813 = arith.mulf %get3A_727, %get3A_789 : vector<16xf32>
      %add3A_814 = arith.addf %mul3A_812, %mul3A_813 : vector<16xf32>
      %swap3A_815 = arith.constant 3 : i32
      %swap3A_816 = arith.index_cast %swap3A_815 : i32 to index
      %swap3A_817 = arith.index_cast %scan3A_722 : i32 to index
      %swap3A_818 = arith.constant 64 : index
      %swap3A_819 = tpu.vector_load %arg6[%swap3A_816, %swap3A_817, %swap3A_818] {strides = array<i32>} : memref<4x64x128xf32, #tpu.memory_space<vmem>>, vector<1x1x16xf32>,
      %swap3A_820 = vector.shape_cast %swap3A_819 : vector<1x1x16xf32> to vector<16xf32>
      %swap3A_821 = vector.shape_cast %add3A_814 : vector<16xf32> to vector<1x1x16xf32>
      tpu.vector_store %arg6[%swap3A_816, %swap3A_817, %swap3A_818], %swap3A_821 {strides = array<i32>} : memref<4x64x128xf32, #tpu.memory_space<vmem>>, vector<1x1x16xf32>,
      %mul3A_822 = arith.mulf %get3A_733, %get3A_777 : vector<16xf32>
      %mul3A_823 = arith.mulf %get3A_757, %get3A_793 : vector<16xf32>
      %sub3A_824 = arith.subf %mul3A_822, %mul3A_823 : vector<16xf32>
      %swap3A_825 = arith.constant 3 : i32
      %swap3A_826 = arith.index_cast %swap3A_825 : i32 to index
      %swap3A_827 = arith.index_cast %scan3A_722 : i32 to index
      %swap3A_828 = arith.constant 16 : index
      %swap3A_829 = tpu.vector_load %arg6[%swap3A_826, %swap3A_827, %swap3A_828] {strides = array<i32>} : memref<4x64x128xf32, #tpu.memory_space<vmem>>, vector<1x1x16xf32>,
      %swap3A_830 = vector.shape_cast %swap3A_829 : vector<1x1x16xf32> to vector<16xf32>
      %swap3A_831 = vector.shape_cast %sub3A_824 : vector<16xf32> to vector<1x1x16xf32>
      tpu.vector_store %arg6[%swap3A_826, %swap3A_827, %swap3A_828], %swap3A_831 {strides = array<i32>} : memref<4x64x128xf32, #tpu.memory_space<vmem>>, vector<1x1x16xf32>,
      %mul3A_832 = arith.mulf %get3A_757, %get3A_777 : vector<16xf32>
      %mul3A_833 = arith.mulf %get3A_733, %get3A_793 : vector<16xf32>
      %add3A_834 = arith.addf %mul3A_832, %mul3A_833 : vector<16xf32>
      %swap3A_835 = arith.constant 3 : i32
      %swap3A_836 = arith.index_cast %swap3A_835 : i32 to index
      %swap3A_837 = arith.index_cast %scan3A_722 : i32 to index
      %swap3A_838 = arith.constant 80 : index
      %swap3A_839 = tpu.vector_load %arg6[%swap3A_836, %swap3A_837, %swap3A_838] {strides = array<i32>} : memref<4x64x128xf32, #tpu.memory_space<vmem>>, vector<1x1x16xf32>,
      %swap3A_840 = vector.shape_cast %swap3A_839 : vector<1x1x16xf32> to vector<16xf32>
      %swap3A_841 = vector.shape_cast %add3A_834 : vector<16xf32> to vector<1x1x16xf32>
      tpu.vector_store %arg6[%swap3A_836, %swap3A_837, %swap3A_838], %swap3A_841 {strides = array<i32>} : memref<4x64x128xf32, #tpu.memory_space<vmem>>, vector<1x1x16xf32>,
      %mul3A_842 = arith.mulf %get3A_739, %get3A_781 : vector<16xf32>
      %mul3A_843 = arith.mulf %get3A_763, %get3A_797 : vector<16xf32>
      %sub3A_844 = arith.subf %mul3A_842, %mul3A_843 : vector<16xf32>
      %swap3A_845 = arith.constant 3 : i32
      %swap3A_846 = arith.index_cast %swap3A_845 : i32 to index
      %swap3A_847 = arith.index_cast %scan3A_722 : i32 to index
      %swap3A_848 = arith.constant 32 : index
      %swap3A_849 = tpu.vector_load %arg6[%swap3A_846, %swap3A_847, %swap3A_848] {strides = array<i32>} : memref<4x64x128xf32, #tpu.memory_space<vmem>>, vector<1x1x16xf32>,
      %swap3A_850 = vector.shape_cast %swap3A_849 : vector<1x1x16xf32> to vector<16xf32>
      %swap3A_851 = vector.shape_cast %sub3A_844 : vector<16xf32> to vector<1x1x16xf32>
      tpu.vector_store %arg6[%swap3A_846, %swap3A_847, %swap3A_848], %swap3A_851 {strides = array<i32>} : memref<4x64x128xf32, #tpu.memory_space<vmem>>, vector<1x1x16xf32>,
      %mul3A_852 = arith.mulf %get3A_763, %get3A_781 : vector<16xf32>
      %mul3A_853 = arith.mulf %get3A_739, %get3A_797 : vector<16xf32>
      %add3A_854 = arith.addf %mul3A_852, %mul3A_853 : vector<16xf32>
      %swap3A_855 = arith.constant 3 : i32
      %swap3A_856 = arith.index_cast %swap3A_855 : i32 to index
      %swap3A_857 = arith.index_cast %scan3A_722 : i32 to index
      %swap3A_858 = arith.constant 96 : index
      %swap3A_859 = tpu.vector_load %arg6[%swap3A_856, %swap3A_857, %swap3A_858] {strides = array<i32>} : memref<4x64x128xf32, #tpu.memory_space<vmem>>, vector<1x1x16xf32>,
      %swap3A_860 = vector.shape_cast %swap3A_859 : vector<1x1x16xf32> to vector<16xf32>
      %swap3A_861 = vector.shape_cast %add3A_854 : vector<16xf32> to vector<1x1x16xf32>
      tpu.vector_store %arg6[%swap3A_856, %swap3A_857, %swap3A_858], %swap3A_861 {strides = array<i32>} : memref<4x64x128xf32, #tpu.memory_space<vmem>>, vector<1x1x16xf32>,
      %mul3A_862 = arith.mulf %get3A_745, %get3A_785 : vector<16xf32>
      %mul3A_863 = arith.mulf %get3A_769, %get3A_801 : vector<16xf32>
      %sub3A_864 = arith.subf %mul3A_862, %mul3A_863 : vector<16xf32>
      %swap3A_865 = arith.constant 3 : i32
      %swap3A_866 = arith.index_cast %swap3A_865 : i32 to index
      %swap3A_867 = arith.index_cast %scan3A_722 : i32 to index
      %swap3A_868 = arith.constant 48 : index
      %swap3A_869 = tpu.vector_load %arg6[%swap3A_866, %swap3A_867, %swap3A_868] {strides = array<i32>} : memref<4x64x128xf32, #tpu.memory_space<vmem>>, vector<1x1x16xf32>,
      %swap3A_870 = vector.shape_cast %swap3A_869 : vector<1x1x16xf32> to vector<16xf32>
      %swap3A_871 = vector.shape_cast %sub3A_864 : vector<16xf32> to vector<1x1x16xf32>
      tpu.vector_store %arg6[%swap3A_866, %swap3A_867, %swap3A_868], %swap3A_871 {strides = array<i32>} : memref<4x64x128xf32, #tpu.memory_space<vmem>>, vector<1x1x16xf32>,
      %mul3A_872 = arith.mulf %get3A_769, %get3A_785 : vector<16xf32>
      %mul3A_873 = arith.mulf %get3A_745, %get3A_801 : vector<16xf32>
      %add3A_874 = arith.addf %mul3A_872, %mul3A_873 : vector<16xf32>
      %swap3A_875 = arith.constant 3 : i32
      %swap3A_876 = arith.index_cast %swap3A_875 : i32 to index
      %swap3A_877 = arith.index_cast %scan3A_722 : i32 to index
      %swap3A_878 = arith.constant 112 : index
      %swap3A_879 = tpu.vector_load %arg6[%swap3A_876, %swap3A_877, %swap3A_878] {strides = array<i32>} : memref<4x64x128xf32, #tpu.memory_space<vmem>>, vector<1x1x16xf32>,
      %swap3A_880 = vector.shape_cast %swap3A_879 : vector<1x1x16xf32> to vector<16xf32>
      %swap3A_881 = vector.shape_cast %add3A_874 : vector<16xf32> to vector<1x1x16xf32>
      tpu.vector_store %arg6[%swap3A_876, %swap3A_877, %swap3A_878], %swap3A_881 {strides = array<i32>} : memref<4x64x128xf32, #tpu.memory_space<vmem>>, vector<1x1x16xf32>,
    }
    %scan3A_641 = arith.constant 64 : i32
    %dma_start3A_642 = arith.constant 3 : i32
    %dma_start3A_643 = arith.constant 3 : i32
    %dma_start3A_644 = arith.constant 0 : i32
    %dma_start3A_645 = arith.constant 0 : i32
    %dma_start3A_646 = tpu.memref_slice %arg6[%dma_start3A_642, %dma_start3A_644, %dma_start3A_645] : memref<4x64x128xf32, #tpu.memory_space<vmem>> -> memref<1x64x128xf32, #tpu.memory_space<vmem>>
    %dma_start3A_647 = tpu.memref_squeeze %dma_start3A_646 : memref<1x64x128xf32, #tpu.memory_space<vmem>> -> memref<64x128xf32, #tpu.memory_space<vmem>>
    %dma_start3A_648 = arith.constant 0 : i32
    %dma_start3A_649 = tpu.memref_slice %arg4[%dma_start3A_643, %mul3A_2, %dma_start3A_648] : memref<4x2048x128xf32, #tpu.memory_space<hbm>> -> memref<1x64x128xf32, #tpu.memory_space<hbm>>
    %dma_start3A_650 = tpu.memref_squeeze %dma_start3A_649 : memref<1x64x128xf32, #tpu.memory_space<hbm>> -> memref<64x128xf32, #tpu.memory_space<hbm>>
    %dma_start3A_651 = arith.constant 0 : i32
    %dma_start3A_652 = tpu.memref_slice %arg4[%dma_start3A_643, %mul3A_2, %dma_start3A_651] : memref<4x2048x128xf32, #tpu.memory_space<hbm>> -> memref<1x64x128xf32, #tpu.memory_space<hbm>>
    %dma_start3A_653 = tpu.memref_squeeze %dma_start3A_652 : memref<1x64x128xf32, #tpu.memory_space<hbm>> -> memref<64x128xf32, #tpu.memory_space<hbm>>
    %dma_start3A_654 = arith.constant 0 : i32
    %dma_start3A_655 = arith.constant 0 : i32
    %dma_start3A_656 = tpu.memref_slice %arg6[%dma_start3A_642, %dma_start3A_654, %dma_start3A_655] : memref<4x64x128xf32, #tpu.memory_space<vmem>> -> memref<1x64x128xf32, #tpu.memory_space<vmem>>
    %dma_start3A_657 = tpu.memref_squeeze %dma_start3A_656 : memref<1x64x128xf32, #tpu.memory_space<vmem>> -> memref<64x128xf32, #tpu.memory_space<vmem>>
    tpu.enqueue_dma source(%dma_start3A_657 : memref<64x128xf32, #tpu.memory_space<vmem>>) target(%dma_start3A_653 : memref<64x128xf32, #tpu.memory_space<hbm>>) target_semaphore(%arg10 : memref<!tpu.dma_semaphore, #tpu.memory_space<semaphore_mem>>)
    %dma_wait3A_658 = arith.constant 0 : i32
    %dma_wait3A_659 = arith.constant 0 : i32
    %dma_wait3A_660 = arith.constant 0 : i32
    %dma_wait3A_661 = arith.constant 0 : i32
    %dma_wait3A_662 = tpu.memref_slice %arg6[%dma_wait3A_658, %dma_wait3A_660, %dma_wait3A_661] : memref<4x64x128xf32, #tpu.memory_space<vmem>> -> memref<1x64x128xf32, #tpu.memory_space<vmem>>
    %dma_wait3A_663 = tpu.memref_squeeze %dma_wait3A_662 : memref<1x64x128xf32, #tpu.memory_space<vmem>> -> memref<64x128xf32, #tpu.memory_space<vmem>>
    %dma_wait3A_664 = arith.constant 0 : i32
    %dma_wait3A_665 = tpu.memref_slice %arg4[%dma_wait3A_659, %mul3A_2, %dma_wait3A_664] : memref<4x2048x128xf32, #tpu.memory_space<hbm>> -> memref<1x64x128xf32, #tpu.memory_space<hbm>>
    %dma_wait3A_666 = tpu.memref_squeeze %dma_wait3A_665 : memref<1x64x128xf32, #tpu.memory_space<hbm>> -> memref<64x128xf32, #tpu.memory_space<hbm>>
    %dma_wait3A_667 = arith.constant 0 : i32
    %dma_wait3A_668 = tpu.memref_slice %arg4[%dma_wait3A_659, %mul3A_2, %dma_wait3A_667] : memref<4x2048x128xf32, #tpu.memory_space<hbm>> -> memref<1x64x128xf32, #tpu.memory_space<hbm>>
    %dma_wait3A_669 = tpu.memref_squeeze %dma_wait3A_668 : memref<1x64x128xf32, #tpu.memory_space<hbm>> -> memref<64x128xf32, #tpu.memory_space<hbm>>
    %dma_wait3A_670 = arith.constant 0 : i32
    %dma_wait3A_671 = arith.constant 0 : i32
    %dma_wait3A_672 = tpu.memref_slice %arg6[%dma_wait3A_658, %dma_wait3A_670, %dma_wait3A_671] : memref<4x64x128xf32, #tpu.memory_space<vmem>> -> memref<1x64x128xf32, #tpu.memory_space<vmem>>
    %dma_wait3A_673 = tpu.memref_squeeze %dma_wait3A_672 : memref<1x64x128xf32, #tpu.memory_space<vmem>> -> memref<64x128xf32, #tpu.memory_space<vmem>>
    tpu.wait_dma2 semaphore(%arg10 : memref<!tpu.dma_semaphore, #tpu.memory_space<semaphore_mem>>) src(%dma_wait3A_673 : memref<64x128xf32, #tpu.memory_space<vmem>>) dst(%dma_wait3A_669 : memref<64x128xf32, #tpu.memory_space<hbm>>)
    %dma_wait3A_674 = arith.constant 1 : i32
    %dma_wait3A_675 = arith.constant 1 : i32
    %dma_wait3A_676 = arith.constant 0 : i32
    %dma_wait3A_677 = arith.constant 0 : i32
    %dma_wait3A_678 = tpu.memref_slice %arg6[%dma_wait3A_674, %dma_wait3A_676, %dma_wait3A_677] : memref<4x64x128xf32, #tpu.memory_space<vmem>> -> memref<1x64x128xf32, #tpu.memory_space<vmem>>
    %dma_wait3A_679 = tpu.memref_squeeze %dma_wait3A_678 : memref<1x64x128xf32, #tpu.memory_space<vmem>> -> memref<64x128xf32, #tpu.memory_space<vmem>>
    %dma_wait3A_680 = arith.constant 0 : i32
    %dma_wait3A_681 = tpu.memref_slice %arg4[%dma_wait3A_675, %mul3A_2, %dma_wait3A_680] : memref<4x2048x128xf32, #tpu.memory_space<hbm>> -> memref<1x64x128xf32, #tpu.memory_space<hbm>>
    %dma_wait3A_682 = tpu.memref_squeeze %dma_wait3A_681 : memref<1x64x128xf32, #tpu.memory_space<hbm>> -> memref<64x128xf32, #tpu.memory_space<hbm>>
    %dma_wait3A_683 = arith.constant 0 : i32
    %dma_wait3A_684 = tpu.memref_slice %arg4[%dma_wait3A_675, %mul3A_2, %dma_wait3A_683] : memref<4x2048x128xf32, #tpu.memory_space<hbm>> -> memref<1x64x128xf32, #tpu.memory_space<hbm>>
    %dma_wait3A_685 = tpu.memref_squeeze %dma_wait3A_684 : memref<1x64x128xf32, #tpu.memory_space<hbm>> -> memref<64x128xf32, #tpu.memory_space<hbm>>
    %dma_wait3A_686 = arith.constant 0 : i32
    %dma_wait3A_687 = arith.constant 0 : i32
    %dma_wait3A_688 = tpu.memref_slice %arg6[%dma_wait3A_674, %dma_wait3A_686, %dma_wait3A_687] : memref<4x64x128xf32, #tpu.memory_space<vmem>> -> memref<1x64x128xf32, #tpu.memory_space<vmem>>
    %dma_wait3A_689 = tpu.memref_squeeze %dma_wait3A_688 : memref<1x64x128xf32, #tpu.memory_space<vmem>> -> memref<64x128xf32, #tpu.memory_space<vmem>>
    tpu.wait_dma2 semaphore(%arg10 : memref<!tpu.dma_semaphore, #tpu.memory_space<semaphore_mem>>) src(%dma_wait3A_689 : memref<64x128xf32, #tpu.memory_space<vmem>>) dst(%dma_wait3A_685 : memref<64x128xf32, #tpu.memory_space<hbm>>)
    %dma_wait3A_690 = arith.constant 2 : i32
    %dma_wait3A_691 = arith.constant 2 : i32
    %dma_wait3A_692 = arith.constant 0 : i32
    %dma_wait3A_693 = arith.constant 0 : i32
    %dma_wait3A_694 = tpu.memref_slice %arg6[%dma_wait3A_690, %dma_wait3A_692, %dma_wait3A_693] : memref<4x64x128xf32, #tpu.memory_space<vmem>> -> memref<1x64x128xf32, #tpu.memory_space<vmem>>
    %dma_wait3A_695 = tpu.memref_squeeze %dma_wait3A_694 : memref<1x64x128xf32, #tpu.memory_space<vmem>> -> memref<64x128xf32, #tpu.memory_space<vmem>>
    %dma_wait3A_696 = arith.constant 0 : i32
    %dma_wait3A_697 = tpu.memref_slice %arg4[%dma_wait3A_691, %mul3A_2, %dma_wait3A_696] : memref<4x2048x128xf32, #tpu.memory_space<hbm>> -> memref<1x64x128xf32, #tpu.memory_space<hbm>>
    %dma_wait3A_698 = tpu.memref_squeeze %dma_wait3A_697 : memref<1x64x128xf32, #tpu.memory_space<hbm>> -> memref<64x128xf32, #tpu.memory_space<hbm>>
    %dma_wait3A_699 = arith.constant 0 : i32
    %dma_wait3A_700 = tpu.memref_slice %arg4[%dma_wait3A_691, %mul3A_2, %dma_wait3A_699] : memref<4x2048x128xf32, #tpu.memory_space<hbm>> -> memref<1x64x128xf32, #tpu.memory_space<hbm>>
    %dma_wait3A_701 = tpu.memref_squeeze %dma_wait3A_700 : memref<1x64x128xf32, #tpu.memory_space<hbm>> -> memref<64x128xf32, #tpu.memory_space<hbm>>
    %dma_wait3A_702 = arith.constant 0 : i32
    %dma_wait3A_703 = arith.constant 0 : i32
    %dma_wait3A_704 = tpu.memref_slice %arg6[%dma_wait3A_690, %dma_wait3A_702, %dma_wait3A_703] : memref<4x64x128xf32, #tpu.memory_space<vmem>> -> memref<1x64x128xf32, #tpu.memory_space<vmem>>
    %dma_wait3A_705 = tpu.memref_squeeze %dma_wait3A_704 : memref<1x64x128xf32, #tpu.memory_space<vmem>> -> memref<64x128xf32, #tpu.memory_space<vmem>>
    tpu.wait_dma2 semaphore(%arg10 : memref<!tpu.dma_semaphore, #tpu.memory_space<semaphore_mem>>) src(%dma_wait3A_705 : memref<64x128xf32, #tpu.memory_space<vmem>>) dst(%dma_wait3A_701 : memref<64x128xf32, #tpu.memory_space<hbm>>)
    %dma_wait3A_706 = arith.constant 3 : i32
    %dma_wait3A_707 = arith.constant 3 : i32
    %dma_wait3A_708 = arith.constant 0 : i32
    %dma_wait3A_709 = arith.constant 0 : i32
    %dma_wait3A_710 = tpu.memref_slice %arg6[%dma_wait3A_706, %dma_wait3A_708, %dma_wait3A_709] : memref<4x64x128xf32, #tpu.memory_space<vmem>> -> memref<1x64x128xf32, #tpu.memory_space<vmem>>
    %dma_wait3A_711 = tpu.memref_squeeze %dma_wait3A_710 : memref<1x64x128xf32, #tpu.memory_space<vmem>> -> memref<64x128xf32, #tpu.memory_space<vmem>>
    %dma_wait3A_712 = arith.constant 0 : i32
    %dma_wait3A_713 = tpu.memref_slice %arg4[%dma_wait3A_707, %mul3A_2, %dma_wait3A_712] : memref<4x2048x128xf32, #tpu.memory_space<hbm>> -> memref<1x64x128xf32, #tpu.memory_space<hbm>>
    %dma_wait3A_714 = tpu.memref_squeeze %dma_wait3A_713 : memref<1x64x128xf32, #tpu.memory_space<hbm>> -> memref<64x128xf32, #tpu.memory_space<hbm>>
    %dma_wait3A_715 = arith.constant 0 : i32
    %dma_wait3A_716 = tpu.memref_slice %arg4[%dma_wait3A_707, %mul3A_2, %dma_wait3A_715] : memref<4x2048x128xf32, #tpu.memory_space<hbm>> -> memref<1x64x128xf32, #tpu.memory_space<hbm>>
    %dma_wait3A_717 = tpu.memref_squeeze %dma_wait3A_716 : memref<1x64x128xf32, #tpu.memory_space<hbm>> -> memref<64x128xf32, #tpu.memory_space<hbm>>
    %dma_wait3A_718 = arith.constant 0 : i32
    %dma_wait3A_719 = arith.constant 0 : i32
    %dma_wait3A_720 = tpu.memref_slice %arg6[%dma_wait3A_706, %dma_wait3A_718, %dma_wait3A_719] : memref<4x64x128xf32, #tpu.memory_space<vmem>> -> memref<1x64x128xf32, #tpu.memory_space<vmem>>
    %dma_wait3A_721 = tpu.memref_squeeze %dma_wait3A_720 : memref<1x64x128xf32, #tpu.memory_space<vmem>> -> memref<64x128xf32, #tpu.memory_space<vmem>>
    tpu.wait_dma2 semaphore(%arg10 : memref<!tpu.dma_semaphore, #tpu.memory_space<semaphore_mem>>) src(%dma_wait3A_721 : memref<64x128xf32, #tpu.memory_space<vmem>>) dst(%dma_wait3A_717 : memref<64x128xf32, #tpu.memory_space<hbm>>)
    return
  }
}

</mosaic_0001>

<sc_bundles>
// kernel: kernel.3.cloned.1.call-start
scs
__scs_entry_jumppad:
0x0: {  	(pc) =	sbr.rel $0x88, $3  }
0x1: {  	(tag) =	ssettag $0x0;
	lr =	simm.s32 $0x1  }
0x2: {  	[smem:$0x3F9F] =	sst lr;
	_ =	strace $0xD0000000  }
0x3: {  	_ = 	snop  }
0x4: {  	_ = 	snop  }
0x5: {  	_ = 	snop  }
0x6: {  	_ = 	snop  }
0x7: {  	_ = 	snop  }
__scs_overlays_trampoline_lowered:
0x8: {  	[smem:$0x3FAE] =	sst s0  }
0x9: {  	[smem:$0x3FAF] =	sst s1  }
0xa: {  	[smem:$0x3FB0] =	sst s2  }
0xb: {  	[smem:$0x3FB1] =	sst s3  }
0xc: {  	[smem:$0x3FB2] =	sst s4  }
0xd: {  	[smem:$0x3FB3] =	sst s5  }
0xe: {  	[smem:$0x3FB4] =	sst s6  }
0xf: {  	[smem:$0x3FB5] =	sst s7  }
0x10: {  	[smem:$0x3FB6] =	sst s8  }
0x11: {  	[smem:$0x3FB7] =	sst s9;
	s0 =	simm.s32 @!p0 $0x0  }
0x12: {  	s1 =	sld [smem:$0x3F9D];
	s0 =	simm.s32 @p0 $0x1  }
0x13: {  	[smem:$0x3FB8] =	sst s0;
	s0 =	simm.s32 @!p1 $0x0  }
0x14: {  	s2 =	sld [smem:$0x3F9C];
	s0 =	simm.s32 @p1 $0x1  }
0x15: {  	[smem:$0x3FB9] =	sst s0;
	s0 =	simm.s32 @!p2 $0x0  }
0x16: {  	s3 =	sld [smem:$0x3FDB];
	s0 =	simm.s32 @p2 $0x1  }
0x17: {  	s4 =	simm.s32 $0x1BF5;
	[smem:$0x3FBB] =	sst s0  }
0x18: {  	s0 =	sld [smem:$0x3F9E];
	_ =	swait.ge [sflag:s4], $0x0  }
0x19: {  	s7 =	sld [smem:$0x3F9F]  }
0x1a: {  	s8 =	sadd.s32 $0xFFFFE003, lr  }
0x1b: {  	s9 =	sadd.s32 $0xFFFFFEF7, lr;
	s5 =	simm.s32 $0xFFFFFFFF;
	p2 =	slt.u32 s8, $0xFFFFF086  }
0x1c: {  	p1 =	slt.u32 s9, $0xF7A;
	s5 =	simm.s32 @!p2 $0x0  }
0x1d: {  	s5 =	simm.s32 @p1 $0x1;
	p0 =	seq.s32 s7, s2  }
0x1e: {  	s7 =	smul.u32 @!p0 $0xF7A, s2;
	p2 =	seq.s32 @!p0 s5, $0x0  }
0x1f: {  	s9 =	smul.u32 $0xF7A, s1;
	s8 =	simm.s32 @!p0 $0x1BF5;
	p2 =	por !p2, p0  }
0x20: {  	[sflag:s8] =	ssyncset.s32 @!p0 $0xFFFFF086;
	s6 =	sadd.s32 @!p0 s3, s7;
	s7 =	simm.s32 @!p0 $0x108  }
0x21: {  	s3 =	sadd.s32 s3, s9;
	s6 =	sadd.s32 @!p0 $0x88, s6;
	s7 =	simm.s32 @p2 $0x1082  }
0x22: {  	[simem:s7], [sflag:s8] =	dma.local @!p0 [hbm:s6], $0xF7A  }
0x23: {  	s9 =	sor.u32 $0xD0000000, s2;
	s6 =	simm.s32 $0x108;
	_ =	swait.ge @!p0 [sflag:s8], $0x0  }
0x24: {  	s3 =	sadd.s32 $0x88, s3;
	s6 =	simm.s32 @!p1 $0x1082;
	[sflag:s4] =	ssyncset.s32 $0xFFFFF086  }
0x25: {  	[simem:s6], [sflag:s4] =	dma.local [hbm:s3], $0xF7A  }
0x26: {  	[smem:$0x3F9F] =	sst s1;
	(tag) =	ssettag s2;
	_ =	strace s9  }
0x27: {  	s1 =	sld [smem:$0x3FAF]  }
0x28: {  	s2 =	sld [smem:$0x3FB0]  }
0x29: {  	s4 =	sld [smem:$0x3FB2]  }
0x2a: {  	p0 =	seq.s32 s5, $0x0;
	s5 =	sld [smem:$0x3FB3]  }
0x2b: {  	s6 =	sld [smem:$0x3FB4]  }
0x2c: {  	s7 =	sld [smem:$0x3FB5]  }
0x2d: {  	s3 =	simm.s32 $0x108;
	s8 =	sld [smem:$0x3FB6]  }
0x2e: {  	s3 =	simm.s32 @!p0 $0x1082;
	s9 =	sld [smem:$0x3FB7]  }
0x2f: {  	lr =	sadd.s32 s0, s3;
	s0 =	sld [smem:$0x3FAE]  }
0x30: {  	s3 =	sld [smem:$0x3FB1]  }
0x31: {  	[smem:$0x3FBA] =	sst s10  }
0x32: {  	s10 =	sld [smem:$0x3FB8];
	_ =	sdelay $0x3  }
0x33: {  	p0 =	seq.s32 s10, $0x1;
	s10 =	sld [smem:$0x3FBA];
	_ =	sdelay $0x3  }
0x34: {  	[smem:$0x3FBA] =	sst s10  }
0x35: {  	s10 =	sld [smem:$0x3FB9];
	_ =	sdelay $0x3  }
0x36: {  	p1 =	seq.s32 s10, $0x1;
	s10 =	sld [smem:$0x3FBA];
	_ =	sdelay $0x3  }
0x37: {  	[smem:$0x3FBA] =	sst s10  }
0x38: {  	s10 =	sld [smem:$0x3FBB]  }
0x39: {  	_ = 	snop;
	(pc) =	sbr.ind lr, $3  }
0x3a: {  	_ = 	snop  }
0x3b: {  	_ = 	snop  }
0x3c: {  	p2 =	seq.s32 s10, $0x1;
	s10 =	sld [smem:$0x3FBA]  }
0x3d: {  	_ =	shalt  }
0x3e: {  	_ =	shalt  }
0x3f: {  	_ =	shalt  }
0x40: {  	_ =	shalt  }
0x41: {  	_ =	shalt  }
0x42: {  	_ =	shalt  }
0x43: {  	_ =	shalt  }
0x44: {  	_ =	shalt  }
0x45: {  	_ =	shalt  }
0x46: {  	_ =	shalt  }
0x47: {  	_ =	shalt  }
0x48: {  	_ =	shalt  }
0x49: {  	_ =	shalt  }
0x4a: {  	_ =	shalt  }
0x4b: {  	_ =	shalt  }
0x4c: {  	_ =	shalt  }
0x4d: {  	_ =	shalt  }
0x4e: {  	_ =	shalt  }
0x4f: {  	_ =	shalt  }
0x50: {  	_ =	shalt  }
0x51: {  	_ =	shalt  }
0x52: {  	_ =	shalt  }
0x53: {  	_ =	shalt  }
0x54: {  	_ =	shalt  }
0x55: {  	_ =	shalt  }
0x56: {  	_ =	shalt  }
0x57: {  	_ =	shalt  }
0x58: {  	_ =	shalt  }
0x59: {  	_ =	shalt  }
0x5a: {  	_ =	shalt  }
0x5b: {  	_ =	shalt  }
0x5c: {  	_ =	shalt  }
0x5d: {  	_ =	shalt  }
0x5e: {  	_ =	shalt  }
0x5f: {  	_ =	shalt  }
0x60: {  	_ =	shalt  }
0x61: {  	_ =	shalt  }
0x62: {  	_ =	shalt  }
0x63: {  	_ =	shalt  }
0x64: {  	_ =	shalt  }
0x65: {  	_ =	shalt  }
0x66: {  	_ =	shalt  }
0x67: {  	_ =	shalt  }
0x68: {  	_ =	shalt  }
0x69: {  	_ =	shalt  }
0x6a: {  	_ =	shalt  }
0x6b: {  	_ =	shalt  }
0x6c: {  	_ =	shalt  }
0x6d: {  	_ =	shalt  }
0x6e: {  	_ =	shalt  }
0x6f: {  	_ =	shalt  }
0x70: {  	_ =	shalt  }
0x71: {  	_ =	shalt  }
0x72: {  	_ =	shalt  }
0x73: {  	_ =	shalt  }
0x74: {  	_ =	shalt  }
0x75: {  	_ =	shalt  }
0x76: {  	_ =	shalt  }
0x77: {  	_ =	shalt  }
0x78: {  	_ =	shalt  }
0x79: {  	_ =	shalt  }
0x7a: {  	_ =	shalt  }
0x7b: {  	_ =	shalt  }
0x7c: {  	_ =	shalt  }
0x7d: {  	_ =	shalt  }
0x7e: {  	_ =	shalt  }
0x7f: {  	_ =	shalt  }
0x80: {  	_ =	shalt  }
0x81: {  	_ =	shalt  }
0x82: {  	_ =	shalt  }
0x83: {  	_ =	shalt  }
0x84: {  	_ =	shalt  }
0x85: {  	_ =	shalt  }
0x86: {  	_ =	shalt  }
0x87: {  	_ =	shalt  }
.Lfunc_end0:
.L_simem_size_0:
called_computation_lowered:
.L_overlay_start_0:
0x88: {  	s2 =	sld [smem:$0x3FD9]  }
0x89: {  	s3 =	sld [smem:$0x3FFE];
	_ =	sdelay $0x1  }
0x8a: {  	s1 =	srdreg.scid  }
0x8b: {  	s0 =	sand.u32 $0x1, s1  }
0x8c: {  	s18 =	sshll.u32 s0, $0xA;
	s2 =	sadd.s32 s3, s2  }
0x8d: {  	s2 =	sadd.s32 s2, s18  }
0x8e: {  	[smem:$0x3FC6] =	sst s2  }
0x8f: {  	_ = 	snop  }
0x90: {  	s2 =	sld [smem:$0x3FC9]  }
0x91: {  	s19 =	sld [smem:$0x3FC8]  }
0x92: {  	s4 =	sld [smem:$0x3FD0];
	(tm) =	ssettm $0x1  }
0x93: {  	s5 =	sld [smem:$0x3FFB];
	_ =	sdelay $0x3  }
0x94: {  	_ =	strace s5  }
0x95: {  	s5 =	sld [smem:$0x3FFC];
	_ =	sdelay $0x3  }
0x96: {  	_ =	strace s5  }
0x97: {  	s5 =	sld [smem:$0x3FFD];
	_ =	sdelay $0x3  }
0x98: {  	_ =	strace s5  }
0x99: {  	_ =	strace $0x8FFFFFFF  }
0x9a: {  	s20 =	sld [smem:$0x3FDB];
	_ =	sdelay $0x1  }
0x9b: {  	s6 =	simm.s32 $_scs_section_size  }
0x9c: {  	s7 =	simm.s32 $_size__tile_overlayer_lowered;
	s8 =	simm.s32 $_tile_overlayer_lowered  }
0x9d: {  	s23 =	simm.s32 $0x1BFF;
	s22 =	sshll.u32 s8, $0x1;
	s5 =	sadd.s32 s6, s20  }
0x9e: {  	s9 =	simm.s32 $0x0;
	s21 =	sshll.u32 s7, $0x1;
	s7 =	sadd.s32 s22, s5  }
0x9f: {  	[timem:s9], [sflag:s23] =	dma.local [hbm:s7], s21  }
0xa0: {  	_ =	swait.ge [sflag:s23], s21  }
0xa1: {  	s6 =	ssub.s32 $0x0, s21;
	[sflag:s23] =	ssyncset.done $0x0  }
0xa2: {  	[sflag:s23] =	ssyncadd.s32 s6;
	_ =	sdelay $0x1  }
0xa3: {  	s24 =	simm.s32 $0x1B8B  }
0xa4: {  	_ =	swait.ge [sflag:s24], $0x1  }
0xa5: {  	[sflag:s24] =	ssyncset.done $0x0  }
0xa6: {  	s25 =	simm.s32 $0x1B8E;
	[sflag:s24] =	ssyncadd.s32 $0xFFFFFFFF  }
0xa7: {  	s26 =	simm.s32 $execute0_lowered;
	[smem:$0x3FD2] =	sst s25  }
0xa8: {  	s6 =	sshll.u32 s26, $0x1;
	_ =	strace $0x80000046;
	[dreg:$0x1] =	wrdreg $0xFFFFFFFF  }
0xa9: {  	s28 =	simm.s32 $_size_execute0_lowered;
	s5 =	sadd.s32 s5, s6;
	[dreg:$0x0] =	wrdreg $0x0  }
0xaa: {  	s6 =	sshll.u32 s28, $0x1;
	[dreg:$0x2] =	wrdreg s5  }
0xab: {  	[dreg:$0x3] =	wrdreg s6  }
0xac: {  	[dreg:$0x4] =	wrdreg $0xC0  }
0xad: {  	_ =	task [dreg:s9], $0x5FFFF  }
0xae: {  	[dreg:$0x1] =	wrdreg $0xFFFFFFFF  }
0xaf: {  	[dreg:$0x0] =	wrdreg $0x60  }
0xb0: {  	[dreg:$0x2] =	wrdreg s2  }
0xb1: {  	[dreg:$0x3] =	wrdreg s19  }
0xb2: {  	[dreg:$0x4] =	wrdreg s4  }
0xb3: {  	[dreg:$0x5] =	wrdreg $0x9  }
0xb4: {  	_ =	task.clear_ibuf [dreg:s9], $0x6FFFF;
	_ =	strace $0x90000046  }
0xb5: {  	s29 =	simm.s32 $0x9;
	_ =	strace $0x80000048  }
0xb6: {  	_ =	swait.ge [sflag:s29], $0x1  }
0xb7: {  	[sflag:s29] =	ssyncadd.s32 $0xFFFFFFFF  }
0xb8: {  	_ =	strace $0x90000048  }
0xb9: {  	_ =	sfence  }
0xba: {  	s30 =	sld [smem:$0x0];
	_ =	sdelay $0x2  }
0xbb: {  	s31 =	sshll.u32 s1, $0xD;
	s1 =	sshrl.u32 s1, $0x2  }
0xbc: {  	s3 =	sand.u32 $0x4000, s31;
	s1 =	sadd.s32 s1, s30  }
0xbd: {  	s0 =	sor.u32 s3, s0;
	s1 =	sshll.u32 s1, $0x11  }
0xbe: {  	s0 =	sor.u32 s1, s0  }
0xbf: {  	s0 =	sadd.s32 $0x8F2B, s0  }
0xc0: {  	[sflag:s0] =	ssyncadd.remote.s32 $0x1  }
0xc1: {  	_ =	sfence.sel $0xFFFF  }
0xc2: {  	[dreg:$0x0] =	wrdreg $0xFFFFFFFF;
	(pc) =	sbr.abs _section_cstart, $3  }
0xc3: {  	[dreg:$0x1] =	wrdreg $0xFFFFFFFF  }
0xc4: {  	_ =	task.clear_ibuf [dreg:s9], $0x2FFFF;
	_ =	strace $0x9FFFFFFF  }
0xc5: {  	(tm) =	ssettm $0x7FFFFFFF  }
tec
execute0_lowered:
.L_overlay_start_1:
0x0: {  	(tag) =	ssettag $0x1  }
0x1: {  	v0 =	vimm.f32 $-3.114307640e+00;
	vm14 =	vcmask $0x300  }
0x2: {  	vm13 =	vcmask $0x704;
	v0 =	vsel vm14, $0x80000000, v0  }
0x3: {  	vm12 =	vcmask $0xB08;
	v0 =	vsel vm13, $0xBE549A78, v0  }
0x4: {  	vm11 =	vcmask $0xF0C;
	vm10 =	vcmask $0x1310;
	v0 =	vsel vm12, $0xBED49A78, v0  }
0x5: {  	vm9 =	vcmask $0x1714;
	vm8 =	vcmask $0x1B18;
	v0 =	vsel vm11, $0xBF1F73DA, v0  }
0x6: {  	vm7 =	vcmask $0x1F1C;
	vm4 =	vcmask $0x2320;
	v0 =	vsel vm10, $0xBF549A78, v0  }
0x7: {  	vm0 =	vcmask $0x2724;
	vm1 =	vcmask $0x2B28;
	v0 =	vsel vm9, $0xBF84E08C, v0  }
0x8: {  	vm2 =	vcmask $0x2F2C;
	vm3 =	vcmask $0x3330;
	v0 =	vsel vm8, $0xBF9F73DA, v0  }
0x9: {  	s9 =	rddreg [dreg:$0x0];
	vm5 =	vcmask $0x3734;
	v2 =	vimm.f32 $-6.436235900e+00;
	v0 =	vsel vm7, $0xBFBA0729, v0  }
0xa: {  	s1 =	rddreg [dreg:$0x1];
	s2 =	simm.s32 $0x0;
	v4 =	vimm.f32 $-9.758164400e+00;
	v5 =	vimm.f32 $-1.308009240e+01;
	v0 =	vsel vm4, $0xBFD49A78, v0  }
0xb: {  	vm6 =	vcmask $0x3B38;
	[smem:$0x7FF] =	sst s2;
	v2 =	vsel vm14, $0xC0549A78, v2;
	v0 =	vsel vm0, $0xBFEF2DC8, v0  }
0xc: {  	s7 =	rddreg [dreg:$0x2];
	v4 =	vsel vm14, $0xC0D49A78, v4;
	v5 =	vsel vm14, $0xC11F73DA, v5;
	v0 =	vsel vm1, $0xC004E08C, v0  }
0xd: {  	s0 =	rddreg [dreg:$0x3];
	_ =	strace $0x80000047;
	v2 =	vsel vm13, $0xC061E420, v2;
	v0 =	vsel vm2, $0xC0122A33, v0  }
0xe: {  	v4 =	vsel vm13, $0xC0DB3F4B, v4;
	v5 =	vsel vm13, $0xC122C644, v5;
	v0 =	vsel vm3, $0xC01F73DA, v0  }
0xf: {  	v2 =	vsel vm12, $0xC06F2DC8, v2;
	v4 =	vsel vm12, $0xC0E1E420, v4;
	v0 =	vsel vm5, $0xC02CBD82, v0  }
0x10: {  	v5 =	vsel vm12, $0xC12618AE, v5;
	v2 =	vsel vm11, $0xC07C776F, v2;
	v0 =	vsel vm6, $0xC03A0729, v0  }
0x11: {  	v4 =	vsel vm11, $0xC0E888F3, v4;
	v2 =	vsel vm10, $0xC084E08C, v2;
	(erf) = vpow2.f32 v0  }
0x12: {  	v5 =	vsel vm11, $0xC1296B18, v5;
	v4 =	vsel vm10, $0xC0EF2DC8, v4;
	v2 =	vsel vm9, $0xC08B855F, v2  }
0x13: {  	v5 =	vsel vm10, $0xC12CBD82, v5;
	v4 =	vsel vm9, $0xC0F5D29B, v4;
	v2 =	vsel vm8, $0xC0922A33, v2  }
0x14: {  	v5 =	vsel vm9, $0xC1300FEB, v5;
	v4 =	vsel vm8, $0xC0FC776F, v4;
	v2 =	vsel vm7, $0xC098CF06, v2  }
0x15: {  	v5 =	vsel vm8, $0xC1336256, v5;
	v4 =	vsel vm7, $0xC1018E21, v4;
	v2 =	vsel vm4, $0xC09F73DA, v2  }
0x16: {  	v5 =	vsel vm7, $0xC136B4BF, v5;
	v4 =	vsel vm4, $0xC104E08C, v4;
	v2 =	vsel vm0, $0xC0A618AE, v2  }
0x17: {  	v5 =	vsel vm4, $0xC13A0729, v5;
	v4 =	vsel vm0, $0xC10832F5, v4;
	v2 =	vsel vm1, $0xC0ACBD82, v2  }
0x18: {  	v5 =	vsel vm0, $0xC13D5992, v5;
	v4 =	vsel vm1, $0xC10B855F, v4;
	v2 =	vsel vm2, $0xC0B36256, v2  }
0x19: {  	v5 =	vsel vm1, $0xC140ABFD, v5;
	v4 =	vsel vm2, $0xC10ED7C9, v4;
	v2 =	vsel vm3, $0xC0BA0729, v2  }
0x1a: {  	v5 =	vsel vm2, $0xC143FE67, v5;
	v4 =	vsel vm3, $0xC1122A33, v4;
	v2 =	vsel vm5, $0xC0C0ABFD, v2;
	v0 =	vpop (erf)  }
0x1b: {  	v4 =	vsel vm5, $0xC1157C9D, v4;
	v2 =	vsel vm6, $0xC0C750D1, v2;
	v1 =	vmul.f32 v0, v0  }
0x1c: {  	v5 =	vsel vm3, $0xC14750D1, v5;
	(erf) = vpow2.f32 v2;
	v2 =	vsel vm6, $0xC118CF06, v4  }
0x1d: {  	v4 =	vsel vm5, $0xC14AA33A, v5;
	(erf) = vpow2.f32 v2;
	v3 =	vmul.f32 $2.755731880e-06, v1  }
0x1e: {  	v2 =	vsel vm6, $0xC14DF5A5, v4  }
0x1f: {  	(erf) = vpow2.f32 v2;
	v3 =	vadd.f32 $-1.984127010e-04, v3  }
0x20: {  	v4 =	vmul.f32 $2.480158760e-05, v1  }
0x21: {  	v2 =	vmul.f32 v3, v1  }
0x22: {  	v3 =	vadd.f32 $-1.388888920e-03, v4  }
0x23: {  	v2 =	vadd.f32 $8.333333770e-03, v2  }
0x24: {  	v3 =	vmul.f32 v3, v1  }
0x25: {  	v4 =	vpop (erf);
	v2 =	vmul.f32 v2, v1  }
0x26: {  	v5 =	vpop (erf);
	v6 =	vmul.f32 v4, v4;
	v3 =	vadd.f32 $4.166666790e-02, v3  }
0x27: {  	v7 =	vmul.f32 v5, v5;
	v2 =	vadd.f32 $-1.666666720e-01, v2  }
0x28: {  	v8 =	vpop (erf);
	v9 =	vmul.f32 $2.755731880e-06, v6;
	v3 =	vmul.f32 v3, v1  }
0x29: {  	v10 =	vmul.f32 v8, v8;
	v2 =	vmul.f32 v2, v1  }
0x2a: {  	v11 =	vmul.f32 $2.755731880e-06, v7;
	v3 =	vadd.f32 $-5.000000000e-01, v3  }
0x2b: {  	v9 =	vadd.f32 $-1.984127010e-04, v9;
	v12 =	vmul.f32 $2.755731880e-06, v10;
	v2 =	vadd.f32 $1.000000000e+00, v2  }
0x2c: {  	v3 =	vmul.f32 v3, v1;
	v1 =	vmul.f32 $2.480158760e-05, v6  }
0x2d: {  	v11 =	vadd.f32 $-1.984127010e-04, v11;
	v0 =	vmul.f32 v2, v0;
	v2 =	vmul.f32 v9, v6  }
0x2e: {  	v13 =	vmul.f32 $2.480158760e-05, v10;
	v9 =	vadd.f32 $-1.984127010e-04, v12;
	v12 =	vmul.f32 $2.480158760e-05, v7  }
0x2f: {  	v11 =	vmul.f32 v11, v7;
	v1 =	vadd.f32 $-1.388888920e-03, v1;
	v2 =	vadd.f32 $8.333333770e-03, v2  }
0x30: {  	v13 =	vadd.f32 $-1.388888920e-03, v13;
	v9 =	vmul.f32 v9, v10;
	v12 =	vadd.f32 $-1.388888920e-03, v12  }
0x31: {  	v11 =	vadd.f32 $8.333333770e-03, v11;
	v1 =	vmul.f32 v1, v6;
	v2 =	vmul.f32 v2, v6  }
0x32: {  	v13 =	vmul.f32 v13, v10;
	v9 =	vadd.f32 $8.333333770e-03, v9;
	v12 =	vmul.f32 v12, v7  }
0x33: {  	v11 =	vmul.f32 v11, v7;
	v1 =	vadd.f32 $4.166666790e-02, v1;
	v2 =	vadd.f32 $-1.666666720e-01, v2  }
0x34: {  	v13 =	vadd.f32 $4.166666790e-02, v13;
	v9 =	vmul.f32 v9, v10;
	v12 =	vadd.f32 $4.166666790e-02, v12  }
0x35: {  	v11 =	vadd.f32 $-1.666666720e-01, v11;
	v1 =	vmul.f32 v1, v6;
	v2 =	vmul.f32 v2, v6  }
0x36: {  	v13 =	vmul.f32 v13, v10;
	v9 =	vadd.f32 $-1.666666720e-01, v9;
	v12 =	vmul.f32 v12, v7  }
0x37: {  	v11 =	vmul.f32 v11, v7;
	v1 =	vadd.f32 $-5.000000000e-01, v1;
	v2 =	vadd.f32 $1.000000000e+00, v2  }
0x38: {  	v13 =	vadd.f32 $-5.000000000e-01, v13;
	v9 =	vmul.f32 v9, v10;
	v12 =	vadd.f32 $-5.000000000e-01, v12  }
0x39: {  	v11 =	vadd.f32 $1.000000000e+00, v11;
	v6 =	vmul.f32 v1, v6;
	v1 =	vmul.f32 v2, v4  }
0x3a: {  	v9 =	vadd.f32 $1.000000000e+00, v9;
	v2 =	vadd.f32 $1.000000000e+00, v3;
	v7 =	vmul.f32 v12, v7  }
0x3b: {  	v10 =	vmul.f32 v13, v10;
	v3 =	vmul.f32 v11, v5;
	v4 =	vadd.f32 $1.000000000e+00, v6  }
0x3c: {  	v5 =	vmul.f32 v9, v8;
	v6 =	vadd.f32 $1.000000000e+00, v7;
	v8 =	vmul.f32 v2, v2  }
0x3d: {  	v9 =	vmul.f32 v0, v0;
	v7 =	vadd.f32 $1.000000000e+00, v10;
	v10 =	vmul.f32 v4, v4  }
0x3e: {  	v11 =	vmul.f32 v1, v1;
	v13 =	vmul.f32 v3, v3;
	v15 =	vadd.f32 v2, v2  }
0x3f: {  	v16 =	vadd.f32 v4, v4;
	v12 =	vmul.f32 v6, v6;
	v14 =	vmul.f32 v7, v7  }
0x40: {  	v17 =	vmul.f32 v5, v5;
	v18 =	vadd.f32 v6, v6;
	v19 =	vadd.f32 v7, v7  }
0x41: {  	v8 =	vsub.f32 v8, v9;
	v9 =	vmul.f32 v0, v15;
	v15 =	vmul.f32 v1, v16  }
0x42: {  	v10 =	vsub.f32 v10, v11;
	v11 =	vmul.f32 v3, v18;
	v16 =	vmul.f32 v5, v19  }
0x43: {  	v12 =	vsub.f32 v12, v13;
	v13 =	vmul.f32 v8, v8;
	v47 =	vmul.f32 v9, v9  }
0x44: {  	v14 =	vsub.f32 v14, v17;
	v17 =	vmul.f32 v10, v10;
	v48 =	vmul.f32 v15, v15  }
0x45: {  	v8 =	vadd.f32 v8, v8;
	v10 =	vadd.f32 v10, v10;
	v20 =	vmul.f32 v12, v12  }
0x46: {  	v21 =	vmul.f32 v11, v11;
	v22 =	vmul.f32 v14, v14;
	v12 =	vadd.f32 v12, v12  }
0x47: {  	v23 =	vmul.f32 v16, v16;
	v14 =	vadd.f32 v14, v14;
	v13 =	vsub.f32 v13, v47  }
0x48: {  	v8 =	vmul.f32 v8, v9;
	v9 =	vmul.f32 v10, v15;
	v10 =	vsub.f32 v17, v48  }
0x49: {  	v11 =	vmul.f32 v12, v11;
	v12 =	vmul.f32 v14, v16;
	v14 =	vsub.f32 v20, v21  }
0x4a: {  	v15 =	vmul.f32 v13, v13;
	v16 =	vmul.f32 v8, v8;
	v17 =	vsub.f32 v22, v23  }
0x4b: {  	v49 =	vmul.f32 v10, v10;
	v50 =	vmul.f32 v9, v9;
	v13 =	vadd.f32 v13, v13  }
0x4c: {  	v10 =	vadd.f32 v10, v10;
	v20 =	vmul.f32 v14, v14;
	v51 =	vmul.f32 v11, v11  }
0x4d: {  	v22 =	vmul.f32 v17, v17;
	v52 =	vmul.f32 v12, v12;
	v14 =	vadd.f32 v14, v14  }
0x4e: {  	v17 =	vadd.f32 v17, v17;
	v15 =	vsub.f32 v15, v16;
	v8 =	vmul.f32 v13, v8  }
0x4f: {  	v9 =	vmul.f32 v10, v9;
	v10 =	vsub.f32 v49, v50;
	v11 =	vmul.f32 v14, v11  }
0x50: {  	v12 =	vmul.f32 v17, v12;
	v13 =	vsub.f32 v20, v51;
	v14 =	vmul.f32 v15, v15  }
0x51: {  	v16 =	vmul.f32 v8, v8;
	v17 =	vsub.f32 v22, v52;
	v18 =	vmul.f32 v10, v10  }
0x52: {  	v53 =	vmul.f32 v9, v9;
	v15 =	vadd.f32 v15, v15;
	v20 =	vmul.f32 v13, v13  }
0x53: {  	v10 =	vadd.f32 v10, v10;
	v54 =	vmul.f32 v11, v11;
	v22 =	vmul.f32 v17, v17  }
0x54: {  	v55 =	vmul.f32 v12, v12;
	v13 =	vadd.f32 v13, v13;
	v17 =	vadd.f32 v17, v17  }
0x55: {  	v14 =	vsub.f32 v14, v16;
	v8 =	vmul.f32 v15, v8;
	v9 =	vmul.f32 v10, v9  }
0x56: {  	v10 =	vsub.f32 v18, v53;
	v11 =	vmul.f32 v13, v11;
	v12 =	vmul.f32 v17, v12  }
0x57: {  	v13 =	vsub.f32 v20, v54;
	v15 =	vmul.f32 v14, v14;
	v16 =	vmul.f32 v8, v8  }
0x58: {  	v17 =	vsub.f32 v22, v55;
	v18 =	vmul.f32 v10, v10;
	v56 =	vmul.f32 v9, v9  }
0x59: {  	s4 =	srdreg.scid;
	s3 =	stileid.u32;
	s14 =	simm.s32 $0x40;
	v14 =	vadd.f32 v14, v14;
	v10 =	vadd.f32 v10, v10;
	v20 =	vmul.f32 v13, v13  }
0x5a: {  	s15 =	simm.s32 $0x80;
	s16 =	simm.s32 $0xC0;
	s17 =	simm.s32 $0x1;
	v57 =	vmul.f32 v11, v11;
	v22 =	vmul.f32 v17, v17;
	v13 =	vadd.f32 v13, v13  }
0x5b: {  	s18 =	simm.s32 $0x100;
	s19 =	simm.s32 $0x2100;
	s20 =	simm.s32 $0x4100;
	v15 =	vsub.f32 v15, v16;
	v14 =	vmul.f32 v14, v8;
	v8 =	vmul.f32 v12, v12  }
0x5c: {  	s21 =	simm.s32 $0x6100;
	s22 =	simm.s32 $0x2;
	s23 =	simm.s32 $0x3;
	v16 =	vsub.f32 v18, v56;
	v58 =	vmul.f32 v10, v9;
	v59 =	vmul.f32 v13, v11  }
0x5d: {  	s24 =	simm.s32 $0x0;
	s5 =	sand.u32 $0x1, s4;
	s29 =	sshll.u32 s3, $0x1;
	v9 =	vadd.f32 v17, v17;
	v10 =	vmul.f32 v15, v15;
	v11 =	vmul.f32 v14, v14  }
0x5e: {  	s4 =	sor.u32 s5, s29;
	s8 =	sshll.u32 s5, $0x6;
	s5 =	ssub.s32 $0x2, s5;
	v13 =	vsub.f32 v20, v57;
	v17 =	vmul.f32 v16, v16;
	v60 =	vmul.f32 v58, v58  }
0x5f: {  	s6 =	sshll.u32 s4, $0x8;
	s11 =	sshrl.u32 s5, $0x1;
	s30 =	sshll.u32 s4, $0xA;
	v61 =	vsub.f32 v22, v8;
	v62 =	vmul.f32 v9, v12;
	v12 =	vadd.f32 v15, v15  }
0x60: {  	p0 =	seq.s32 s4, $0x0;
	s10 =	sand.u32 $0x1E00, s6;
	s13 =	ssub.s32 s5, s11;
	v15 =	vadd.f32 v16, v16;
	v8 =	vsub.f32 v10, v11  }
0x61: {  	s7 =	sadd.s32 s7, s30;
	s10 =	sor.u32 s8, s10;
	s8 =	sor.u32 s8, s6;
	v9 =	vsub.f32 v17, v60;
	v10 =	vmul.f32 v13, v13;
	v11 =	vmul.f32 v59, v59  }
0x62: {  	s11 =	sadd.s32 $0x10000, s7;
	s10 =	sshrl.u32 s10, $0x3;
	s8 =	sshrl.u32 s8, $0x3;
	v17 =	vmul.f32 v61, v61;
	v16 =	vmul.f32 v62, v62;
	v63 =	vadd.f32 v13, v13  }
0x63: {  	s13 =	smax.u32 s13, $0x1;
	s5 =	sadd.s32 s9, s10;
	s31 =	sor.u32 $0x20, s8;
	v21 =	vadd.f32 v61, v61;
	v10 =	vsub.f32 v10, v11  }
0x64: {  	s12 =	sor.u32 $0x30, s8;
	s10 =	sadd.s32 $0x8000, s7;
	s6 =	sadd.s32 $0x10, s5;
	v11 =	vmul.f32 v12, v14;
	v12 =	vmul.f32 v15, v58;
	v13 =	vsub.f32 v17, v16  }
0x65: {  	s8 =	sadd.s32 s9, s31;
	s9 =	sadd.s32 s9, s12;
	s12 =	sadd.s32 $0x18000, s7;
	v14 =	vmul.f32 v63, v59;
	v15 =	vmul.f32 v21, v62  }
.LBB2_1:
0x66: {  	[tilespmem:s2], [sflag:$0x1] =	stream.linear.gather [hbm4b:s5+s2], $0x40, $0x38;
	[tilespmem:$0xA100] =	vst v63  }
0x67: {  	_ = 	snop  }
0x68: {  	[tilespmem:s14], [sflag:$0x1] =	stream.linear.gather [hbm4b:s6+s2], $0x40, $0x38;
	[tilespmem:$0xA100] =	vst v63  }
0x69: {  	_ = 	snop  }
0x6a: {  	[tilespmem:s15], [sflag:$0x1] =	stream.linear.gather [hbm4b:s8+s2], $0x40, $0x38;
	[tilespmem:$0xA100] =	vst v63  }
0x6b: {  	_ = 	snop  }
0x6c: {  	[tilespmem:s16], [sflag:$0x1] =	stream.linear.gather [hbm4b:s9+s2], $0x40, $0x38;
	[tilespmem:$0xA100] =	vst v63  }
0x6d: {  	_ =	swait.ge [sflag:s17], $0x40  }
0x6e: {  	[sflag:s17] =	ssyncset.done $0x0  }
0x6f: {  	[sflag:s17] =	ssyncadd.s32 $0xFFFFFFC0  }
0x70: {  	_ =	swait.ge [sflag:s17], $0x40  }
0x71: {  	[sflag:s17] =	ssyncset.done $0x0  }
0x72: {  	[sflag:s17] =	ssyncadd.s32 $0xFFFFFFC0  }
0x73: {  	_ =	swait.ge [sflag:s17], $0x40  }
0x74: {  	[sflag:s17] =	ssyncset.done $0x0  }
0x75: {  	[sflag:s17] =	ssyncadd.s32 $0xFFFFFFC0  }
0x76: {  	_ =	swait.ge [sflag:s17], $0x40  }
0x77: {  	[sflag:s17] =	ssyncset.done $0x0  }
0x78: {  	[sflag:s17] =	ssyncadd.s32 $0xFFFFFFC0  }
0x79: {  	[tilespmem:s18], [sflag:$0x2] =	stream.indirect.gather [hbm4b:s1+s14], $0x80, s2, s14, $0xb8;
	[tilespmem:$0xA100] =	vst v63  }
0x7a: {  	_ = 	snop  }
0x7b: {  	[tilespmem:s19], [sflag:$0x2] =	stream.indirect.gather [hbm4b:s1+s14], $0x80, s14, s14, $0xb8;
	[tilespmem:$0xA100] =	vst v63  }
.Ltmp0:
0x7c: {  	_ = 	snop;
	(pc) =	sbr.rel @p0 .LBB2_2-.Ltmp0, $4  }
0x7d: {  	_ = 	snop  }
0x7e: {  	[tilespmem:s20], [sflag:$0x2] =	stream.indirect.gather [hbm4b:s1+s14], $0x80, s15, s14, $0xb8;
	[tilespmem:$0xA100] =	vst v63  }
0x7f: {  	_ = 	snop  }
0x80: {  	v17 =	vimm.f32 $0.0e+00;
	v16 =	vimm.f32 $1.000000000e+00;
	[tilespmem:s21], [sflag:$0x2] =	stream.indirect.gather [hbm4b:s1+s14], $0x80, s16, s14, $0xb8;
	[tilespmem:$0xA100] =	vst v63  }
0x81: {  	p2 =	sne.s32 s4, $0x1  }
.Ltmp1:
0x82: {  	_ = 	snop;
	(pc) =	sbr.rel @!p2 .LBB2_4-.Ltmp1, $4  }
0x83: {  	_ = 	snop  }
0x84: {  	v18 =	vmul.f32 v16, v10;
	v21 =	vmul.f32 v17, v14  }
0x85: {  	v19 =	vmul.f32 v16, v14  }
0x86: {  	s25 =	sadd.s32 $0xFFFFFFFF, s4;
	v20 =	vmul.f32 v17, v10;
	v26 =	vmul.f32 v17, v11;
	p1 =	por $0x0, $0x0;
	v18 =	vsub.f32 v18, v21  }
0x87: {  	v21 =	vmul.f32 v16, v11  }
0x88: {  	v22 =	vmul.f32 v17, v13;
	v23 =	vmul.f32 v17, v8  }
0x89: {  	v24 =	vmul.f32 v16, v8;
	v27 =	vmul.f32 v16, v15  }
0x8a: {  	v25 =	vmul.f32 v16, v9;
	p2 =	sne.s32 s25, $0x1;
	v30 =	vmul.f32 v16, v13  }
.Ltmp2:
0x8b: {  	v32 =	vmul.f32 v17, v15;
	v31 =	vmul.f32 v16, v12;
	v20 =	vadd.f32 v20, v19;
	(pc) =	sbr.rel @!p2 .LBB2_6-.Ltmp2, $4  }
0x8c: {  	v19 =	vmul.f32 v18, v14;
	v18 =	vmul.f32 v18, v10  }
0x8d: {  	v21 =	vadd.f32 v23, v21;
	v28 =	vadd.f32 v22, v27;
	v29 =	vmul.f32 v20, v14  }
0x8e: {  	v23 =	vmul.f32 v17, v9;
	v22 =	vsub.f32 v24, v26;
	v20 =	vmul.f32 v20, v10  }
0x8f: {  	s25 =	sadd.s32 $0xFFFFFFFF, s25;
	p1 =	por $0x1, $0x1;
	v27 =	vmul.f32 v21, v11;
	v24 =	vmovc v28;
	v18 =	vsub.f32 v18, v29;
	v29 =	vimm.f32 $0.0e+00  }
.LBB2_7:
0x90: {  	p2 =	sne.s32 s25, $0x1;
	s25 =	sadd.s32 $0xFFFFFFFF, s25;
	v26 =	vmul.f32 v22, v11;
	v20 =	vadd.f32 v20, v19;
	v28 =	vmul.f32 v28, v13  }
0x91: {  	v33 =	vmul.f32 v29, v12;
	v19 =	vmul.f32 v18, v14;
	v30 =	vsub.f32 v30, v32  }
0x92: {  	v21 =	vmul.f32 v21, v8;
	v18 =	vmul.f32 v18, v10;
	v29 =	vadd.f32 v23, v31  }
.Ltmp3:
0x93: {  	v22 =	vmul.f32 v22, v8;
	v33 =	vsub.f32 v25, v33;
	v31 =	vmul.f32 v30, v15;
	(pc) =	sbr.rel @p2 .LBB2_7-.Ltmp3, $4  }
0x94: {  	v32 =	vmul.f32 v20, v14;
	v21 =	vadd.f32 v21, v26;
	v23 =	vmul.f32 v29, v9  }
0x95: {  	v20 =	vmul.f32 v20, v10;
	v25 =	vmul.f32 v33, v9;
	v28 =	vadd.f32 v28, v31  }
0x96: {  	v22 =	vsub.f32 v22, v27;
	v30 =	vmul.f32 v30, v13;
	v27 =	vmul.f32 v21, v11  }
0x97: {  	v18 =	vsub.f32 v18, v32;
	v32 =	vmul.f32 v24, v15;
	v31 =	vmul.f32 v33, v12;
	v24 =	vmovc v28  }
0x98: {  	v26 =	vmov v27  }
.LBB2_9:
0x99: {  	v27 =	vmul.f32 @p1 v29, v12;
	v60 =	vmul.f32 v22, v11;
	v30 =	vsub.f32 @p1 v30, v32  }
0x9a: {  	v28 =	vmul.f32 v28, v13;
	v23 =	vadd.f32 @p1 v23, v31;
	v61 =	vmul.f32 v21, v8  }
0x9b: {  	v22 =	vmul.f32 v22, v8;
	v24 =	vmul.f32 v24, v15;
	v30 =	vpsel p1, v30, v16  }
0x9c: {  	v25 =	vsub.f32 @p1 v25, v27;
	v17 =	vpsel p1, v23, v17;
	v62 =	vmul.f32 v30, v15  }
.Ltmp4:
0x9d: {  	v21 =	vadd.f32 v20, v19;
	v23 =	vmul.f32 v17, v9;
	v17 =	vmul.f32 v17, v12;
	(pc) =	sbr.rel .LBB2_10-.Ltmp4, $4  }
0x9e: {  	v27 =	vadd.f32 v61, v60;
	v19 =	vmul.f32 v30, v13;
	v16 =	vpsel p1, v25, v16  }
0x9f: {  	v25 =	vmul.f32 v16, v9;
	v20 =	vadd.f32 v28, v62;
	v63 =	vmul.f32 v16, v12  }
0xa0: {  	v16 =	vsub.f32 v22, v26;
	v19 =	vsub.f32 v19, v24  }
0xa1: {  	v22 =	vadd.f32 v23, v63;
	v23 =	vsub.f32 v25, v17;
	v17 =	vmov v27  }
.LBB2_2:
0xa2: {  	v23 =	vimm.f32 $1.000000000e+00;
	v18 =	vimm.f32 $1.000000000e+00;
	v19 =	vimm.f32 $1.000000000e+00  }
0xa3: {  	v22 =	vimm.f32 $0.0e+00;
	v21 =	vimm.f32 $0.0e+00;
	v20 =	vimm.f32 $0.0e+00  }
.LBB2_10:
0xa4: {  	[tilespmem:$0x8100] =	vst v16  }
0xa5: {  	[tilespmem:$0x8140] =	vst v17;
	v27 =	vmul.f32 v17, v0;
	v28 =	vmul.f32 v21, v6  }
0xa6: {  	[tilespmem:$0x8120] =	vst v18;
	v29 =	vmul.f32 v21, v3;
	v17 =	vmul.f32 v17, v2  }
0xa7: {  	[tilespmem:$0x8160] =	vst v21;
	v24 =	vmul.f32 v23, v4;
	v26 =	vmul.f32 v22, v1  }
0xa8: {  	v25 =	vmul.f32 v23, v1;
	[tilespmem:$0x8150] =	vst v22;
	v22 =	vmul.f32 v22, v4  }
0xa9: {  	[tilespmem:$0x8110] =	vst v23;
	v23 =	vmul.f32 v16, v2;
	v16 =	vmul.f32 v16, v0;
	v21 =	vsub.f32 v24, v26  }
0xaa: {  	[tilespmem:$0x8130] =	vst v19;
	v24 =	vmul.f32 v18, v3;
	v26 =	vmul.f32 v20, v5;
	v25 =	vadd.f32 v22, v25  }
0xab: {  	[tilespmem:$0x8170] =	vst v20;
	s25 =	simm.s32 $0x0;
	v23 =	vsub.f32 v23, v27;
	v27 =	vmul.f32 v20, v7;
	v18 =	vmul.f32 v18, v6  }
0xac: {  	v32 =	vadd.f32 v17, v16;
	v16 =	vmul.f32 v19, v7;
	v30 =	vmul.f32 v21, v4;
	[tilespmem:s25+$0x8190] =	vst v21  }
0xad: {  	v31 =	vmul.f32 v21, v1;
	v17 =	vmul.f32 v23, v2;
	v21 =	vadd.f32 v28, v24;
	[tilespmem:s25+$0x81D0] =	vst v25  }
0xae: {  	v24 =	vmul.f32 v25, v1;
	v20 =	vsub.f32 v18, v29;
	v28 =	vmul.f32 v19, v5;
	[tilespmem:s25+$0x8180] =	vst v23  }
0xaf: {  	v22 =	vmul.f32 v32, v0;
	v16 =	vsub.f32 v16, v26;
	v29 =	vmul.f32 v25, v4;
	[tilespmem:s25+$0x81C0] =	vst v32  }
0xb0: {  	v18 =	vmul.f32 v21, v6;
	[tilespmem:s25+$0x81E0] =	vst v21;
	v19 =	vmul.f32 v21, v3;
	v26 =	vadd.f32 v27, v28  }
0xb1: {  	[tilespmem:s25+$0x81A0] =	vst v20;
	v27 =	vsub.f32 v30, v24;
	v24 =	vmul.f32 v32, v2;
	v25 =	vmul.f32 v20, v3  }
0xb2: {  	s26 =	simm.s32 $0x80;
	s28 =	simm.s32 $0x400;
	v28 =	vmul.f32 v23, v0;
	v23 =	vadd.f32 v29, v31;
	v21 =	vmul.f32 v26, v5;
	[tilespmem:s25+$0x81F0] =	vst v26  }
.LBB2_11:
0xb3: {  	v29 =	vmul.f32 v27, v4;
	s29 =	sshra.s32 s28, $0x2;
	p1 =	sne.s32 s28, $0x7C00;
	s28 =	sadd.s32 $0x200, s28;
	v30 =	vsub.f32 v17, v22;
	v26 =	vmul.f32 v26, v7;
	[tilespmem:s25+$0x81B0] =	vst v16  }
0xb4: {  	v31 =	vmul.f32 v27, v1;
	v20 =	vmul.f32 v20, v6;
	s25 =	smov.u32 s26;
	v28 =	vadd.f32 v24, v28;
	[tilespmem:s26+$0x8190] =	vst v27;
	s26 =	smov.u32 s29  }
0xb5: {  	v25 =	vadd.f32 v18, v25;
	v24 =	vmul.f32 v16, v7;
	v17 =	vmul.f32 v30, v2;
	[tilespmem:s25+$0x81D0] =	vst v23  }
.Ltmp5:
0xb6: {  	v32 =	vmul.f32 v16, v5;
	v27 =	vmul.f32 v23, v1;
	v20 =	vsub.f32 v20, v19;
	[tilespmem:s25+$0x8180] =	vst v30;
	(pc) =	sbr.rel @p1 .LBB2_11-.Ltmp5, $4  }
0xb7: {  	v18 =	vmul.f32 v25, v6;
	v22 =	vmul.f32 v28, v0;
	v16 =	vsub.f32 v24, v21;
	[tilespmem:s25+$0x81E0] =	vst v25  }
0xb8: {  	v19 =	vmul.f32 v25, v3;
	v23 =	vmul.f32 v23, v4;
	v26 =	vadd.f32 v26, v32;
	[tilespmem:s25+$0x81A0] =	vst v20  }
0xb9: {  	v27 =	vsub.f32 v29, v27;
	v24 =	vmul.f32 v28, v2;
	v25 =	vmul.f32 v20, v3;
	[tilespmem:s25+$0x81C0] =	vst v28  }
0xba: {  	v21 =	vmul.f32 v26, v5;
	v23 =	vadd.f32 v23, v31;
	v28 =	vmul.f32 v30, v0;
	[tilespmem:s25+$0x81F0] =	vst v26  }
0xbb: {  	[tilespmem:s25+$0x81B0] =	vst v16  }
0xbc: {  	v17 =	vsub.f32 v17, v22;
	v20 =	vmul.f32 v20, v6;
	[tilespmem:s26+$0x8190] =	vst v27  }
0xbd: {  	v18 =	vadd.f32 v18, v25;
	[tilespmem:s26+$0x81D0] =	vst v23  }
0xbe: {  	v22 =	vmul.f32 v26, v7;
	v19 =	vsub.f32 v20, v19;
	v20 =	vmul.f32 v16, v5;
	[tilespmem:s26+$0x8180] =	vst v17  }
0xbf: {  	v17 =	vadd.f32 v24, v28;
	v16 =	vmul.f32 v16, v7;
	[tilespmem:s26+$0x81E0] =	vst v18  }
0xc0: {  	v18 =	vadd.f32 v22, v20;
	[tilespmem:s26+$0x81A0] =	vst v19  }
0xc1: {  	v16 =	vsub.f32 v16, v21;
	[tilespmem:s26+$0x81C0] =	vst v17  }
0xc2: {  	[tilespmem:s26+$0x81F0] =	vst v18  }
0xc3: {  	[tilespmem:s26+$0x81B0] =	vst v16  }
0xc4: {  	_ =	swait.ge [sflag:s22], $0x2000  }
0xc5: {  	[sflag:s22] =	ssyncset.done $0x0  }
0xc6: {  	s25 =	simm.s32 $0x0;
	[sflag:s22] =	ssyncadd.s32 $0xFFFFE000  }
0xc7: {  	v21 =	vld [tilespmem:s25+$0x130]  }
0xc8: {  	v23 =	vld [tilespmem:s25+$0x8170]  }
0xc9: {  	v24 =	vld [tilespmem:s25+$0x8130]  }
0xca: {  	v17 =	vld [tilespmem:s25+$0x8160]  }
0xcb: {  	v25 =	vld [tilespmem:s25+$0x170]  }
0xcc: {  	v16 =	vld [tilespmem:s25+$0x8100]  }
0xcd: {  	v19 =	vld [tilespmem:s25+$0x8120]  }
0xce: {  	v28 =	vld [tilespmem:s25+$0x120]  }
0xcf: {  	v22 =	vld [tilespmem:s25+$0x140]  }
0xd0: {  	v18 =	vld [tilespmem:s25+$0x8150];
	v27 =	vmul.f32 v24, v21;
	v29 =	vmul.f32 v23, v25  }
0xd1: {  	v20 =	vld [tilespmem:s25+$0x8140];
	v23 =	vmul.f32 v23, v21;
	v24 =	vmul.f32 v24, v25  }
0xd2: {  	v26 =	vld [tilespmem:s25+$0x160];
	v27 =	vsub.f32 v27, v29  }
0xd3: {  	v21 =	vld [tilespmem:s25+$0x150];
	v29 =	vadd.f32 v23, v24  }
0xd4: {  	v25 =	vld [tilespmem:s25+$0x110];
	v23 =	vmul.f32 v16, v22;
	[tilespmem:s25+$0x130] =	vst v27  }
0xd5: {  	s26 =	simm.s32 $0x200;
	v24 =	vld [tilespmem:s25+$0x8110];
	v27 =	vmul.f32 v19, v28;
	v28 =	vmul.f32 v17, v28;
	[tilespmem:s25+$0x170] =	vst v29  }
.LBB2_13:
0xd6: {  	s28 =	sshra.s32 s26, $0x2;
	p1 =	sne.s32 s26, $0x7E00;
	s26 =	sadd.s32 $0x200, s26;
	v29 =	vld [tilespmem:s25+$0x100];
	v22 =	vmul.f32 v20, v22  }
0xd7: {  	v30 =	vld [tilespmem:s28+$0x130];
	v19 =	vmul.f32 v19, v26  }
0xd8: {  	v26 =	vmul.f32 v17, v26;
	v31 =	vld [tilespmem:s28+$0x8170];
	v32 =	vmul.f32 v18, v21  }
0xd9: {  	v33 =	vld [tilespmem:s28+$0x8130];
	v19 =	vadd.f32 v28, v19  }
0xda: {  	v18 =	vmul.f32 v18, v25;
	v17 =	vld [tilespmem:s28+$0x8160];
	v28 =	vmul.f32 v24, v25;
	v25 =	vsub.f32 v27, v26  }
0xdb: {  	v26 =	vld [tilespmem:s28+$0x170];
	v27 =	vmul.f32 v16, v29;
	v20 =	vmul.f32 v20, v29;
	[tilespmem:s25+$0x160] =	vst v19  }
0xdc: {  	v21 =	vmul.f32 v24, v21;
	v16 =	vld [tilespmem:s28+$0x8100];
	v28 =	vsub.f32 v28, v32;
	[tilespmem:s25+$0x120] =	vst v25  }
0xdd: {  	v19 =	vld [tilespmem:s28+$0x8120];
	v24 =	vmul.f32 v31, v30;
	v25 =	vsub.f32 v27, v22;
	v20 =	vadd.f32 v20, v23  }
0xde: {  	v21 =	vadd.f32 v18, v21;
	v23 =	vld [tilespmem:s28+$0x120];
	v27 =	vmul.f32 v33, v30;
	[tilespmem:s25+$0x110] =	vst v28  }
0xdf: {  	v18 =	vld [tilespmem:s28+$0x8150];
	[tilespmem:s25+$0x140] =	vst v20  }
0xe0: {  	v22 =	vld [tilespmem:s28+$0x140];
	v28 =	vmul.f32 v31, v26;
	v29 =	vmul.f32 v33, v26;
	[tilespmem:s25+$0x100] =	vst v25  }
.Ltmp6:
0xe1: {  	v20 =	vld [tilespmem:s28+$0x8140];
	[tilespmem:s25+$0x150] =	vst v21;
	s25 =	smov.u32 s28;
	(pc) =	sbr.rel @p1 .LBB2_13-.Ltmp6, $4  }
0xe2: {  	v26 =	vld [tilespmem:s25+$0x160];
	v30 =	vsub.f32 v27, v28;
	v29 =	vadd.f32 v24, v29  }
0xe3: {  	v21 =	vld [tilespmem:s25+$0x150];
	v27 =	vmul.f32 v19, v23;
	v28 =	vmul.f32 v17, v23  }
0xe4: {  	v25 =	vld [tilespmem:s25+$0x110];
	[tilespmem:s25+$0x130] =	vst v30  }
0xe5: {  	v24 =	vld [tilespmem:s25+$0x8110];
	v23 =	vmul.f32 v16, v22;
	[tilespmem:s25+$0x170] =	vst v29  }
0xe6: {  	_ = 	snop  }
0xe7: {  	v29 =	vld [tilespmem:s25+$0x100]  }
0xe8: {  	v19 =	vmul.f32 v19, v26  }
0xe9: {  	v17 =	vmul.f32 v17, v26  }
0xea: {  	v26 =	vmul.f32 v18, v21;
	v19 =	vadd.f32 v28, v19;
	v28 =	vmul.f32 v24, v25  }
0xeb: {  	v17 =	vsub.f32 v27, v17;
	v18 =	vmul.f32 v18, v25;
	v21 =	vmul.f32 v24, v21  }
0xec: {  	v27 =	vmul.f32 v20, v29;
	[tilespmem:s25+$0x160] =	vst v19;
	v19 =	vsub.f32 v28, v26  }
0xed: {  	v20 =	vmul.f32 v20, v22;
	v16 =	vmul.f32 v16, v29;
	[tilespmem:s25+$0x120] =	vst v17;
	v18 =	vadd.f32 v18, v21  }
0xee: {  	v17 =	vadd.f32 v27, v23;
	[tilespmem:s25+$0x110] =	vst v19  }
0xef: {  	v16 =	vsub.f32 v16, v20;
	[tilespmem:s25+$0x150] =	vst v18  }
0xf0: {  	[tilespmem:s25+$0x140] =	vst v17  }
0xf1: {  	s31 =	simm.s32 $0x0;
	[tilespmem:s25+$0x100] =	vst v16  }
0xf2: {  	[hbm4b:s7+s31] =	stream.linear.scatter [tilespmem:s18], [sflag:$0x3], $0x2000, $0x38;
	[tilespmem:$0xA100] =	vst v63  }
0xf3: {  	_ =	swait.ge [sflag:s22], $0x2000  }
0xf4: {  	[sflag:s22] =	ssyncset.done $0x0  }
0xf5: {  	s25 =	simm.s32 $0x0;
	[sflag:s22] =	ssyncadd.s32 $0xFFFFE000  }
0xf6: {  	v21 =	vld [tilespmem:s25+$0x2130]  }
0xf7: {  	v23 =	vld [tilespmem:s25+$0x8170]  }
0xf8: {  	v24 =	vld [tilespmem:s25+$0x8130]  }
0xf9: {  	v17 =	vld [tilespmem:s25+$0x8160]  }
0xfa: {  	v25 =	vld [tilespmem:s25+$0x2170]  }
0xfb: {  	v16 =	vld [tilespmem:s25+$0x8100]  }
0xfc: {  	v19 =	vld [tilespmem:s25+$0x8120]  }
0xfd: {  	v28 =	vld [tilespmem:s25+$0x2120]  }
0xfe: {  	v22 =	vld [tilespmem:s25+$0x2140]  }
0xff: {  	v18 =	vld [tilespmem:s25+$0x8150];
	v27 =	vmul.f32 v24, v21;
	v29 =	vmul.f32 v23, v25  }
0x100: {  	v20 =	vld [tilespmem:s25+$0x8140];
	v23 =	vmul.f32 v23, v21;
	v24 =	vmul.f32 v24, v25  }
0x101: {  	v26 =	vld [tilespmem:s25+$0x2160];
	v27 =	vsub.f32 v27, v29  }
0x102: {  	v21 =	vld [tilespmem:s25+$0x2150];
	v29 =	vadd.f32 v23, v24  }
0x103: {  	v25 =	vld [tilespmem:s25+$0x2110];
	v23 =	vmul.f32 v16, v22;
	[tilespmem:s25+$0x2130] =	vst v27  }
0x104: {  	s26 =	simm.s32 $0x200;
	v24 =	vld [tilespmem:s25+$0x8110];
	v27 =	vmul.f32 v19, v28;
	v28 =	vmul.f32 v17, v28;
	[tilespmem:s25+$0x2170] =	vst v29  }
.LBB2_15:
0x105: {  	s28 =	sshra.s32 s26, $0x2;
	p1 =	sne.s32 s26, $0x7E00;
	s26 =	sadd.s32 $0x200, s26;
	v29 =	vld [tilespmem:s25+$0x2100];
	v22 =	vmul.f32 v20, v22  }
0x106: {  	v30 =	vld [tilespmem:s28+$0x2130];
	v19 =	vmul.f32 v19, v26  }
0x107: {  	v26 =	vmul.f32 v17, v26;
	v31 =	vld [tilespmem:s28+$0x8170];
	v32 =	vmul.f32 v18, v21  }
0x108: {  	v33 =	vld [tilespmem:s28+$0x8130];
	v19 =	vadd.f32 v28, v19  }
0x109: {  	v18 =	vmul.f32 v18, v25;
	v17 =	vld [tilespmem:s28+$0x8160];
	v28 =	vmul.f32 v24, v25;
	v25 =	vsub.f32 v27, v26  }
0x10a: {  	v26 =	vld [tilespmem:s28+$0x2170];
	v27 =	vmul.f32 v16, v29;
	v20 =	vmul.f32 v20, v29;
	[tilespmem:s25+$0x2160] =	vst v19  }
0x10b: {  	v21 =	vmul.f32 v24, v21;
	v16 =	vld [tilespmem:s28+$0x8100];
	v28 =	vsub.f32 v28, v32;
	[tilespmem:s25+$0x2120] =	vst v25  }
0x10c: {  	v19 =	vld [tilespmem:s28+$0x8120];
	v24 =	vmul.f32 v31, v30;
	v25 =	vsub.f32 v27, v22;
	v20 =	vadd.f32 v20, v23  }
0x10d: {  	v21 =	vadd.f32 v18, v21;
	v23 =	vld [tilespmem:s28+$0x2120];
	v27 =	vmul.f32 v33, v30;
	[tilespmem:s25+$0x2110] =	vst v28  }
0x10e: {  	v18 =	vld [tilespmem:s28+$0x8150];
	[tilespmem:s25+$0x2140] =	vst v20  }
0x10f: {  	v22 =	vld [tilespmem:s28+$0x2140];
	v28 =	vmul.f32 v31, v26;
	v29 =	vmul.f32 v33, v26;
	[tilespmem:s25+$0x2100] =	vst v25  }
.Ltmp7:
0x110: {  	v20 =	vld [tilespmem:s28+$0x8140];
	[tilespmem:s25+$0x2150] =	vst v21;
	s25 =	smov.u32 s28;
	(pc) =	sbr.rel @p1 .LBB2_15-.Ltmp7, $4  }
0x111: {  	v26 =	vld [tilespmem:s25+$0x2160];
	v30 =	vsub.f32 v27, v28;
	v29 =	vadd.f32 v24, v29  }
0x112: {  	v21 =	vld [tilespmem:s25+$0x2150];
	v27 =	vmul.f32 v19, v23;
	v28 =	vmul.f32 v17, v23  }
0x113: {  	v25 =	vld [tilespmem:s25+$0x2110];
	[tilespmem:s25+$0x2130] =	vst v30  }
0x114: {  	v24 =	vld [tilespmem:s25+$0x8110];
	v23 =	vmul.f32 v16, v22;
	[tilespmem:s25+$0x2170] =	vst v29  }
0x115: {  	_ = 	snop  }
0x116: {  	v29 =	vld [tilespmem:s25+$0x2100]  }
0x117: {  	v19 =	vmul.f32 v19, v26  }
0x118: {  	v17 =	vmul.f32 v17, v26  }
0x119: {  	v26 =	vmul.f32 v18, v21;
	v19 =	vadd.f32 v28, v19;
	v28 =	vmul.f32 v24, v25  }
0x11a: {  	v17 =	vsub.f32 v27, v17;
	v18 =	vmul.f32 v18, v25;
	v21 =	vmul.f32 v24, v21  }
0x11b: {  	v27 =	vmul.f32 v20, v29;
	[tilespmem:s25+$0x2160] =	vst v19;
	v19 =	vsub.f32 v28, v26  }
0x11c: {  	v20 =	vmul.f32 v20, v22;
	v16 =	vmul.f32 v16, v29;
	[tilespmem:s25+$0x2120] =	vst v17;
	v18 =	vadd.f32 v18, v21  }
0x11d: {  	v17 =	vadd.f32 v27, v23;
	[tilespmem:s25+$0x2110] =	vst v19  }
0x11e: {  	v16 =	vsub.f32 v16, v20;
	[tilespmem:s25+$0x2150] =	vst v18  }
0x11f: {  	[tilespmem:s25+$0x2140] =	vst v17  }
0x120: {  	s31 =	simm.s32 $0x0;
	[tilespmem:s25+$0x2100] =	vst v16  }
0x121: {  	[hbm4b:s10+s31] =	stream.linear.scatter [tilespmem:s19], [sflag:$0x3], $0x2000, $0x38;
	[tilespmem:$0xA100] =	vst v63  }
0x122: {  	_ =	swait.ge [sflag:s22], $0x2000  }
0x123: {  	[sflag:s22] =	ssyncset.done $0x0  }
0x124: {  	s25 =	simm.s32 $0x0;
	[sflag:s22] =	ssyncadd.s32 $0xFFFFE000  }
0x125: {  	v21 =	vld [tilespmem:s25+$0x4130]  }
0x126: {  	v23 =	vld [tilespmem:s25+$0x8170]  }
0x127: {  	v24 =	vld [tilespmem:s25+$0x8130]  }
0x128: {  	v17 =	vld [tilespmem:s25+$0x8160]  }
0x129: {  	v25 =	vld [tilespmem:s25+$0x4170]  }
0x12a: {  	v16 =	vld [tilespmem:s25+$0x8100]  }
0x12b: {  	v19 =	vld [tilespmem:s25+$0x8120]  }
0x12c: {  	v28 =	vld [tilespmem:s25+$0x4120]  }
0x12d: {  	v22 =	vld [tilespmem:s25+$0x4140]  }
0x12e: {  	v18 =	vld [tilespmem:s25+$0x8150];
	v27 =	vmul.f32 v24, v21;
	v29 =	vmul.f32 v23, v25  }
0x12f: {  	v20 =	vld [tilespmem:s25+$0x8140];
	v23 =	vmul.f32 v23, v21;
	v24 =	vmul.f32 v24, v25  }
0x130: {  	v26 =	vld [tilespmem:s25+$0x4160];
	v27 =	vsub.f32 v27, v29  }
0x131: {  	v21 =	vld [tilespmem:s25+$0x4150];
	v29 =	vadd.f32 v23, v24  }
0x132: {  	v25 =	vld [tilespmem:s25+$0x4110];
	v23 =	vmul.f32 v16, v22;
	[tilespmem:s25+$0x4130] =	vst v27  }
0x133: {  	s26 =	simm.s32 $0x200;
	v24 =	vld [tilespmem:s25+$0x8110];
	v27 =	vmul.f32 v19, v28;
	v28 =	vmul.f32 v17, v28;
	[tilespmem:s25+$0x4170] =	vst v29  }
.LBB2_17:
0x134: {  	s28 =	sshra.s32 s26, $0x2;
	p1 =	sne.s32 s26, $0x7E00;
	s26 =	sadd.s32 $0x200, s26;
	v29 =	vld [tilespmem:s25+$0x4100];
	v22 =	vmul.f32 v20, v22  }
0x135: {  	v30 =	vld [tilespmem:s28+$0x4130];
	v19 =	vmul.f32 v19, v26  }
0x136: {  	v26 =	vmul.f32 v17, v26;
	v31 =	vld [tilespmem:s28+$0x8170];
	v32 =	vmul.f32 v18, v21  }
0x137: {  	v33 =	vld [tilespmem:s28+$0x8130];
	v19 =	vadd.f32 v28, v19  }
0x138: {  	v18 =	vmul.f32 v18, v25;
	v17 =	vld [tilespmem:s28+$0x8160];
	v28 =	vmul.f32 v24, v25;
	v25 =	vsub.f32 v27, v26  }
0x139: {  	v26 =	vld [tilespmem:s28+$0x4170];
	v27 =	vmul.f32 v16, v29;
	v20 =	vmul.f32 v20, v29;
	[tilespmem:s25+$0x4160] =	vst v19  }
0x13a: {  	v21 =	vmul.f32 v24, v21;
	v16 =	vld [tilespmem:s28+$0x8100];
	v28 =	vsub.f32 v28, v32;
	[tilespmem:s25+$0x4120] =	vst v25  }
0x13b: {  	v19 =	vld [tilespmem:s28+$0x8120];
	v24 =	vmul.f32 v31, v30;
	v25 =	vsub.f32 v27, v22;
	v20 =	vadd.f32 v20, v23  }
0x13c: {  	v21 =	vadd.f32 v18, v21;
	v23 =	vld [tilespmem:s28+$0x4120];
	v27 =	vmul.f32 v33, v30;
	[tilespmem:s25+$0x4110] =	vst v28  }
0x13d: {  	v18 =	vld [tilespmem:s28+$0x8150];
	[tilespmem:s25+$0x4140] =	vst v20  }
0x13e: {  	v22 =	vld [tilespmem:s28+$0x4140];
	v28 =	vmul.f32 v31, v26;
	v29 =	vmul.f32 v33, v26;
	[tilespmem:s25+$0x4100] =	vst v25  }
.Ltmp8:
0x13f: {  	v20 =	vld [tilespmem:s28+$0x8140];
	[tilespmem:s25+$0x4150] =	vst v21;
	s25 =	smov.u32 s28;
	(pc) =	sbr.rel @p1 .LBB2_17-.Ltmp8, $4  }
0x140: {  	v26 =	vld [tilespmem:s25+$0x4160];
	v30 =	vsub.f32 v27, v28;
	v29 =	vadd.f32 v24, v29  }
0x141: {  	v21 =	vld [tilespmem:s25+$0x4150];
	v27 =	vmul.f32 v19, v23;
	v28 =	vmul.f32 v17, v23  }
0x142: {  	v25 =	vld [tilespmem:s25+$0x4110];
	[tilespmem:s25+$0x4130] =	vst v30  }
0x143: {  	v24 =	vld [tilespmem:s25+$0x8110];
	v23 =	vmul.f32 v16, v22;
	[tilespmem:s25+$0x4170] =	vst v29  }
0x144: {  	_ = 	snop  }
0x145: {  	v29 =	vld [tilespmem:s25+$0x4100]  }
0x146: {  	v19 =	vmul.f32 v19, v26  }
0x147: {  	v17 =	vmul.f32 v17, v26  }
0x148: {  	v26 =	vmul.f32 v18, v21;
	v19 =	vadd.f32 v28, v19;
	v28 =	vmul.f32 v24, v25  }
0x149: {  	v17 =	vsub.f32 v27, v17;
	v18 =	vmul.f32 v18, v25;
	v21 =	vmul.f32 v24, v21  }
0x14a: {  	v27 =	vmul.f32 v20, v29;
	[tilespmem:s25+$0x4160] =	vst v19;
	v19 =	vsub.f32 v28, v26  }
0x14b: {  	v20 =	vmul.f32 v20, v22;
	v16 =	vmul.f32 v16, v29;
	[tilespmem:s25+$0x4120] =	vst v17;
	v18 =	vadd.f32 v18, v21  }
0x14c: {  	v17 =	vadd.f32 v27, v23;
	[tilespmem:s25+$0x4110] =	vst v19  }
0x14d: {  	v16 =	vsub.f32 v16, v20;
	[tilespmem:s25+$0x4150] =	vst v18  }
0x14e: {  	[tilespmem:s25+$0x4140] =	vst v17  }
0x14f: {  	s31 =	simm.s32 $0x0;
	[tilespmem:s25+$0x4100] =	vst v16  }
0x150: {  	[hbm4b:s11+s31] =	stream.linear.scatter [tilespmem:s20], [sflag:$0x3], $0x2000, $0x38;
	[tilespmem:$0xA100] =	vst v63  }
0x151: {  	_ =	swait.ge [sflag:s22], $0x2000  }
0x152: {  	[sflag:s22] =	ssyncset.done $0x0  }
0x153: {  	s25 =	simm.s32 $0x0;
	[sflag:s22] =	ssyncadd.s32 $0xFFFFE000  }
0x154: {  	v21 =	vld [tilespmem:s25+$0x6130]  }
0x155: {  	v23 =	vld [tilespmem:s25+$0x8170]  }
0x156: {  	v24 =	vld [tilespmem:s25+$0x8130]  }
0x157: {  	v17 =	vld [tilespmem:s25+$0x8160]  }
0x158: {  	v25 =	vld [tilespmem:s25+$0x6170]  }
0x159: {  	v16 =	vld [tilespmem:s25+$0x8100]  }
0x15a: {  	v19 =	vld [tilespmem:s25+$0x8120]  }
0x15b: {  	v28 =	vld [tilespmem:s25+$0x6120]  }
0x15c: {  	v22 =	vld [tilespmem:s25+$0x6140]  }
0x15d: {  	v18 =	vld [tilespmem:s25+$0x8150];
	v27 =	vmul.f32 v24, v21;
	v29 =	vmul.f32 v23, v25  }
0x15e: {  	v20 =	vld [tilespmem:s25+$0x8140];
	v23 =	vmul.f32 v23, v21;
	v24 =	vmul.f32 v24, v25  }
0x15f: {  	v26 =	vld [tilespmem:s25+$0x6160];
	v27 =	vsub.f32 v27, v29  }
0x160: {  	v21 =	vld [tilespmem:s25+$0x6150];
	v29 =	vadd.f32 v23, v24  }
0x161: {  	v25 =	vld [tilespmem:s25+$0x6110];
	v23 =	vmul.f32 v16, v22;
	[tilespmem:s25+$0x6130] =	vst v27  }
0x162: {  	s26 =	simm.s32 $0x200;
	v24 =	vld [tilespmem:s25+$0x8110];
	v27 =	vmul.f32 v19, v28;
	v28 =	vmul.f32 v17, v28;
	[tilespmem:s25+$0x6170] =	vst v29  }
.LBB2_19:
0x163: {  	s28 =	sshra.s32 s26, $0x2;
	p1 =	sne.s32 s26, $0x7E00;
	s26 =	sadd.s32 $0x200, s26;
	v29 =	vld [tilespmem:s25+$0x6100];
	v22 =	vmul.f32 v20, v22  }
0x164: {  	v30 =	vld [tilespmem:s28+$0x6130];
	v19 =	vmul.f32 v19, v26  }
0x165: {  	v26 =	vmul.f32 v17, v26;
	v31 =	vld [tilespmem:s28+$0x8170];
	v32 =	vmul.f32 v18, v21  }
0x166: {  	v33 =	vld [tilespmem:s28+$0x8130];
	v19 =	vadd.f32 v28, v19  }
0x167: {  	v18 =	vmul.f32 v18, v25;
	v17 =	vld [tilespmem:s28+$0x8160];
	v28 =	vmul.f32 v24, v25;
	v25 =	vsub.f32 v27, v26  }
0x168: {  	v26 =	vld [tilespmem:s28+$0x6170];
	v27 =	vmul.f32 v16, v29;
	v20 =	vmul.f32 v20, v29;
	[tilespmem:s25+$0x6160] =	vst v19  }
0x169: {  	v21 =	vmul.f32 v24, v21;
	v16 =	vld [tilespmem:s28+$0x8100];
	v28 =	vsub.f32 v28, v32;
	[tilespmem:s25+$0x6120] =	vst v25  }
0x16a: {  	v19 =	vld [tilespmem:s28+$0x8120];
	v24 =	vmul.f32 v31, v30;
	v25 =	vsub.f32 v27, v22;
	v20 =	vadd.f32 v20, v23  }
0x16b: {  	v21 =	vadd.f32 v18, v21;
	v23 =	vld [tilespmem:s28+$0x6120];
	v27 =	vmul.f32 v33, v30;
	[tilespmem:s25+$0x6110] =	vst v28  }
0x16c: {  	v18 =	vld [tilespmem:s28+$0x8150];
	[tilespmem:s25+$0x6140] =	vst v20  }
0x16d: {  	v22 =	vld [tilespmem:s28+$0x6140];
	v28 =	vmul.f32 v31, v26;
	v29 =	vmul.f32 v33, v26;
	[tilespmem:s25+$0x6100] =	vst v25  }
.Ltmp9:
0x16e: {  	v20 =	vld [tilespmem:s28+$0x8140];
	[tilespmem:s25+$0x6150] =	vst v21;
	s25 =	smov.u32 s28;
	(pc) =	sbr.rel @p1 .LBB2_19-.Ltmp9, $4  }
0x16f: {  	v26 =	vld [tilespmem:s25+$0x6160];
	v30 =	vsub.f32 v27, v28;
	v29 =	vadd.f32 v24, v29  }
0x170: {  	v21 =	vld [tilespmem:s25+$0x6150];
	v27 =	vmul.f32 v19, v23;
	v28 =	vmul.f32 v17, v23  }
0x171: {  	v25 =	vld [tilespmem:s25+$0x6110];
	[tilespmem:s25+$0x6130] =	vst v30  }
0x172: {  	v24 =	vld [tilespmem:s25+$0x8110];
	v23 =	vmul.f32 v16, v22;
	[tilespmem:s25+$0x6170] =	vst v29  }
0x173: {  	_ = 	snop  }
0x174: {  	v29 =	vld [tilespmem:s25+$0x6100]  }
0x175: {  	v19 =	vmul.f32 v19, v26  }
0x176: {  	v17 =	vmul.f32 v17, v26  }
0x177: {  	v57 =	vmul.f32 v18, v21;
	v19 =	vadd.f32 v28, v19;
	v58 =	vmul.f32 v24, v25  }
0x178: {  	v17 =	vsub.f32 v27, v17;
	v62 =	vmul.f32 v18, v25;
	v63 =	vmul.f32 v24, v21  }
0x179: {  	v59 =	vmul.f32 v20, v29;
	[tilespmem:s25+$0x6160] =	vst v19;
	v61 =	vsub.f32 v58, v57  }
0x17a: {  	v60 =	vmul.f32 v20, v22;
	v16 =	vmul.f32 v16, v29;
	[tilespmem:s25+$0x6120] =	vst v17;
	v18 =	vadd.f32 v62, v63  }
0x17b: {  	v17 =	vadd.f32 v59, v23;
	[tilespmem:s25+$0x6110] =	vst v61  }
0x17c: {  	v16 =	vsub.f32 v16, v60;
	[tilespmem:s25+$0x6150] =	vst v18  }
0x17d: {  	[tilespmem:s25+$0x6140] =	vst v17  }
0x17e: {  	[tilespmem:s25+$0x6100] =	vst v16  }
0x17f: {  	[hbm4b:s12+s2] =	stream.linear.scatter [tilespmem:s21], [sflag:$0x3], $0x2000, $0x38;
	[tilespmem:$0xA100] =	vst v63  }
0x180: {  	_ =	swait.ge [sflag:s23], $0x2000  }
0x181: {  	[sflag:s23] =	ssyncset.done $0x0  }
0x182: {  	[sflag:s23] =	ssyncadd.s32 $0xFFFFE000  }
0x183: {  	_ =	swait.ge [sflag:s23], $0x2000  }
0x184: {  	[sflag:s23] =	ssyncset.done $0x0  }
0x185: {  	s24 =	sadd.s32 $0x1, s24;
	[sflag:s23] =	ssyncadd.s32 $0xFFFFE000  }
0x186: {  	p1 =	sne.s32 s24, s13;
	_ =	swait.ge [sflag:s23], $0x2000  }
.Ltmp10:
0x187: {  	[sflag:s23] =	ssyncset.done $0x0;
	(pc) =	sbr.rel @p1 .LBB2_1-.Ltmp10, $4  }
.Ltmp11:
0x188: {  	[sflag:s23] =	ssyncadd.s32 $0xFFFFE000;
	(pc) =	sbr.rel @!p1 .LBB2_21-.Ltmp11, $4  }
0x189: {  	_ =	swait.ge [sflag:s23], $0x2000  }
0x18a: {  	[sflag:s23] =	ssyncset.done $0x0  }
0x18b: {  	[sflag:s23] =	ssyncadd.s32 $0xFFFFE000  }
0x18c: {  	_ = 	snop  }
.LBB2_4:
.Ltmp12:
0x18d: {  	(pc) =	sbr.rel .LBB2_9-.Ltmp12, $3  }
0x18e: {  	_ =	sdelay $0x1  }
0x18f: {  	v22 =	vimm.f32 $1.000000000e+00;
	v28 =	vimm.f32 $0.0e+00  }
0x190: {  	v29 =	vimm.f32 $0.0e+00;
	v21 =	vimm.f32 $0.0e+00;
	v24 =	vimm.f32 $0.0e+00  }
.LBB2_6:
.Ltmp13:
0x191: {  	(pc) =	sbr.rel .LBB2_9-.Ltmp13, $2  }
0x192: {  	_ =	sdelay $0x2  }
0x193: {  	v29 =	vimm.f32 $0.0e+00;
	v24 =	vmov v28;
	v26 =	vmov v27  }
.LBB2_21:
0x194: {  	_ =	sfence.sel $0x180000  }
0x195: {  	[bflag:$0x0] =	sbarrier.arrive $0xFFFF  }
0x196: {  	p0 =	sne.s32 s3, $0x0;
	_ =	strace $0x90000047  }
0x197: {  	s0 =	sadd.s32 @!p0 $0x100000, s0;
	[bflag:$0x2] =	sbarrier.arrive $0xFFFF  }
0x198: {  	[sflag:s0] =	ssyncadd.tile.s32 @!p0 $0x1;
	_ =	shalt  }
.Lfunc_end2:
_tile_overlayer_lowered:
.L_overlay_start_2:
0x199: {  	(tag) =	ssettag $0x2  }
0x19a: {  	s0 =	rddreg [dreg:$0x0];
	s2 =	stileid.u32  }
0x19b: {  	s1 =	rddreg [dreg:$0x1];
	p0 =	sne.s32 s2, $0x0  }
0x19c: {  	s3 =	rddreg [dreg:$0x2];
	[bflag:$0x3] =	sbarrier.arrive $0xFFFF;
	s2 =	simm.s32 @!p0 $0x1C04  }
0x19d: {  	[timem:s3], [sflag:s2] =	dma.local @!p0 [hbm:s0], s1  }
0x19e: {  	s0 =	simm.s32 @!p0 $0x4  }
0x19f: {  	_ =	swait.ge @!p0 [sflag:s0], s1  }
0x1a0: {  	s1 =	ssub.s32 @!p0 $0x0, s1;
	[sflag:s0] =	ssyncset.done @!p0 $0x0  }
0x1a1: {  	[sflag:s0] =	ssyncadd.s32 @!p0 s1  }
0x1a2: {  	[bflag:$0x3] =	sbarrier.arrive $0xFFFF  }
0x1a3: {  	_ =	shalt  }

</sc_bundles>
